<compile_context>
chip_gen: v7x
topology: tpu7x:2x2x1
jax: 0.10.2.dev20260603
libtpu: 0.0.44.dev20260713+nightly
codegen_flags: <defaults>
</compile_context>

<pallas_src>
import functools

import jax
import jax.numpy as jnp
from jax import lax
from jax.experimental import pallas as pl
from jax.experimental.pallas import tpu as pltpu
from jax.experimental.pallas import tpu_sc as plsc

BATCH = 16384
HIST = 50
D = 64
VOCAB = 100001
NW = 32
PASSES = D // NW
CB = 512
NKB = BATCH // CB
HB = 8
NHB = HIST // HB
HTAIL = HIST - NHB * HB

_mesh = plsc.VectorSubcoreMesh(core_axis_name="c", subcore_axis_name="s")


@functools.partial(
    pl.kernel,
    mesh=_mesh,
    out_type=jax.ShapeDtypeStruct((HIST, D, BATCH), jnp.float32),
    compiler_params=pltpu.CompilerParams(needs_layout_passes=False),
    scratch_types=[
        pltpu.VMEM((VOCAB,), jnp.float32),
        pltpu.VMEM((HB, CB), jnp.int32),
        pltpu.VMEM((HB, CB), jnp.int32),
        pltpu.VMEM((HB, CB), jnp.float32),
        pltpu.VMEM((HB, CB), jnp.float32),
        pltpu.SemaphoreType.DMA,
        pltpu.SemaphoreType.DMA,
        pltpu.SemaphoreType.DMA,
        pltpu.SemaphoreType.DMA,
    ],
)
def _sc_gather_t(table_hbm, idx_hbm, out_hbm, trow,
                 ib0, ib1, ob0, ob1, i0, i1, s0, s1):
    ibuf = (ib0, ib1)
    obuf = (ob0, ob1)
    isem = (i0, i1)
    ssem = (s0, s1)
    wid = lax.axis_index("s") * 2 + lax.axis_index("c")

    def one_pass(p, carry):
        f = wid * PASSES + p
        pltpu.sync_copy(table_hbm.at[f], trow)

        def run_hblock(h0, nr):
            def idxcp(kb, s):
                return pltpu.make_async_copy(
                    idx_hbm.at[pl.ds(h0, nr), pl.ds(kb * CB, CB)],
                    ibuf[s].at[pl.ds(0, nr)], isem[s])

            def stcp(kb, s):
                return pltpu.make_async_copy(
                    obuf[s].at[pl.ds(0, nr)],
                    out_hbm.at[pl.ds(h0, nr), f, pl.ds(kb * CB, CB)],
                    ssem[s])

            def gather(s):
                def row(r, cr):
                    @plsc.parallel_loop(0, CB, step=16, unroll=8)
                    def body(c):
                        iv = ibuf[s][r, pl.ds(c, 16)]
                        obuf[s][r, pl.ds(c, 16)] = plsc.load_gather(trow, [iv])
                    return cr
                lax.fori_loop(0, nr, row, 0)

            def visit(kb, s, pref, swait):
                if swait:
                    stcp(kb - 2, s).wait()
                idxcp(kb, s).wait()
                gather(s)
                stcp(kb, s).start()
                if pref:
                    idxcp(kb + 2, s).start()

            idxcp(0, 0).start()
            idxcp(1, 1).start()
            visit(0, 0, True, False)
            visit(1, 1, True, False)

            def pair(g, cr):
                visit(g, 0, True, True)
                visit(g + 1, 1, True, True)
                return cr

            lax.fori_loop(1, NKB // 2 - 1, lambda i, cr: pair(i * 2, cr), 0)
            visit(NKB - 2, 0, False, True)
            visit(NKB - 1, 1, False, True)
            stcp(NKB - 2, 0).wait()
            stcp(NKB - 1, 1).wait()

        def hblock(hb, cr):
            run_hblock(hb * HB, HB)
            return cr

        lax.fori_loop(0, NHB, hblock, 0)
        run_hblock(NHB * HB, HTAIL)
        return carry

    lax.fori_loop(0, PASSES, one_pass, 0)


def kernel(input, word_embed_weight):
    table_t = word_embed_weight.T
    idx_t = input.T
    out_t = _sc_gather_t(table_t, idx_t)
    return jnp.transpose(out_t, (2, 0, 1))

# --- scband reference (transcript-rebuilt; emitter-appended) ---
"""Pipeline reference for scband-net-w-39573828665648 (READ-ONLY COPY).

The authoritative reference and input builder live on the scoring server;
editing this copy changes nothing except your own understanding.
"""

import jax, jax.numpy as jnp
import numpy as np

NTOKEN = 100000
NINP = 64
BATCH = 16384
HIST = 50


def setup_inputs(seed: int = 0) -> dict:
    key = jax.random.key(seed)
    k1, k2 = jax.random.split(key)
    # pretrained_wemb copied into nn.Embedding(ntoken+1, ninp, padding_idx=0)
    word_embed_weight = jax.random.normal(k1, (NTOKEN + 1, NINP), dtype=jnp.float32) * 0.1
    word_embed_weight = word_embed_weight.at[0].set(0.0)  # padding_idx row
    indices = jax.random.randint(k2, (BATCH, HIST), 0, NTOKEN + 1, dtype=jnp.int32)
    return {"input": indices, "word_embed_weight": word_embed_weight}


def reference(input, word_embed_weight):
    # format='index' branch: out = dropout(word_embed(input)); dropout p=0.0 / eval -> identity
    out = jnp.take(word_embed_weight, input, axis=0)
    return out

if __name__ == "__main__":
    import jax
    _d = setup_inputs()
    print(jax.jit(kernel)(*tuple(_d.values())))

</pallas_src>

<mosaic_0001>
#map = affine_map<(d0, d1) -> (0, 0)>
#map1 = affine_map<(d0, d1) -> (0, 0, 0)>
module attributes {stable_mosaic.version = 14 : i64} {
  func.func @_sc_gather_t(%arg0: i32, %arg1: i32, %arg2: memref<64x100001xf32, #tpu.memory_space<hbm>>, %arg3: memref<50x16384xi32, #tpu.memory_space<hbm>>, %arg4: memref<50x64x16384xf32, #tpu.memory_space<hbm>>, %arg5: memref<100001xf32, #tpu.memory_space<vmem>>, %arg6: memref<8x512xi32, #tpu.memory_space<vmem>>, %arg7: memref<8x512xi32, #tpu.memory_space<vmem>>, %arg8: memref<8x512xf32, #tpu.memory_space<vmem>>, %arg9: memref<8x512xf32, #tpu.memory_space<vmem>>, %arg10: memref<!tpu.dma_semaphore, #tpu.memory_space<semaphore_mem>>, %arg11: memref<!tpu.dma_semaphore, #tpu.memory_space<semaphore_mem>>, %arg12: memref<!tpu.dma_semaphore, #tpu.memory_space<semaphore_mem>>, %arg13: memref<!tpu.dma_semaphore, #tpu.memory_space<semaphore_mem>>) attributes {dimension_semantics = [#tpu.dimension_semantics<core_parallel>, #tpu.dimension_semantics<subcore_parallel>], iteration_bounds = array<i64: 2, 16>, scalar_prefetch = 0 : i64, scratch_operands = 9 : i64, tpu.core_type = #tpu.core_type<sc_vector_subcore>, window_params = [{transform_indices = #map}, {transform_indices = #map}, {transform_indices = #map1}]} {
    %mul3A = arith.constant 2 : i32
    %mul3A_0 = arith.muli %arg1, %mul3A : i32
    %add3A = arith.addi %mul3A_0, %arg0 : i32
    %scan3A = arith.constant 0 : i32
    %scan3A_1 = arith.constant 0 : i32
    %scan3A_2 = arith.constant 2 : i32
    %scan3A_3 = arith.addi %scan3A_1, %scan3A_2 : i32
    %scan3A_4 = arith.constant 1 : i32
    scf.for %scan3A_6 = %scan3A_1 to %scan3A_3 step %scan3A_4  : i32 {
      %mul3A_7 = arith.constant 2 : i32
      %mul3A_8 = arith.muli %add3A, %mul3A_7 : i32
      %add3A_9 = arith.addi %mul3A_8, %scan3A_6 : i32
      "tpu.region"() ({
        %run_scoped3A = tpu.sem_alloc : memref<!tpu.dma_semaphore, #tpu.memory_space<semaphore_mem>>
        %dma_start3A_252 = arith.constant 0 : i32
        %dma_start3A_253 = tpu.memref_slice %arg2[%add3A_9, %dma_start3A_252] : memref<64x100001xf32, #tpu.memory_space<hbm>> -> memref<1x100001xf32, #tpu.memory_space<hbm>>
        %dma_start3A_254 = tpu.memref_squeeze %dma_start3A_253 : memref<1x100001xf32, #tpu.memory_space<hbm>> -> memref<100001xf32, #tpu.memory_space<hbm>>
        %dma_start3A_255 = arith.constant 0 : i32
        %dma_start3A_256 = tpu.memref_slice %arg2[%add3A_9, %dma_start3A_255] : memref<64x100001xf32, #tpu.memory_space<hbm>> -> memref<1x100001xf32, #tpu.memory_space<hbm>>
        %dma_start3A_257 = tpu.memref_squeeze %dma_start3A_256 : memref<1x100001xf32, #tpu.memory_space<hbm>> -> memref<100001xf32, #tpu.memory_space<hbm>>
        tpu.enqueue_dma source(%dma_start3A_257 : memref<100001xf32, #tpu.memory_space<hbm>>) target(%arg5 : memref<100001xf32, #tpu.memory_space<vmem>>) target_semaphore(%run_scoped3A : memref<!tpu.dma_semaphore, #tpu.memory_space<semaphore_mem>>)
        %dma_wait3A_258 = arith.constant 0 : i32
        %dma_wait3A_259 = tpu.memref_slice %arg2[%add3A_9, %dma_wait3A_258] : memref<64x100001xf32, #tpu.memory_space<hbm>> -> memref<1x100001xf32, #tpu.memory_space<hbm>>
        %dma_wait3A_260 = tpu.memref_squeeze %dma_wait3A_259 : memref<1x100001xf32, #tpu.memory_space<hbm>> -> memref<100001xf32, #tpu.memory_space<hbm>>
        %dma_wait3A_261 = arith.constant 0 : i32
        %dma_wait3A_262 = tpu.memref_slice %arg2[%add3A_9, %dma_wait3A_261] : memref<64x100001xf32, #tpu.memory_space<hbm>> -> memref<1x100001xf32, #tpu.memory_space<hbm>>
        %dma_wait3A_263 = tpu.memref_squeeze %dma_wait3A_262 : memref<1x100001xf32, #tpu.memory_space<hbm>> -> memref<100001xf32, #tpu.memory_space<hbm>>
        tpu.wait_dma2 semaphore(%run_scoped3A : memref<!tpu.dma_semaphore, #tpu.memory_space<semaphore_mem>>) src(%dma_wait3A_263 : memref<100001xf32, #tpu.memory_space<hbm>>) dst(%arg5 : memref<100001xf32, #tpu.memory_space<vmem>>)
        tpu.yield
      }) : () -> ()
      %scan3A_10 = arith.constant 0 : i32
      %scan3A_11 = arith.constant 0 : i32
      %scan3A_12 = arith.constant 6 : i32
      %scan3A_13 = arith.addi %scan3A_11, %scan3A_12 : i32
      %scan3A_14 = arith.constant 1 : i32
      scf.for %scan3A_252 = %scan3A_11 to %scan3A_13 step %scan3A_14  : i32 {
        %mul3A_253 = arith.constant 8 : i32
        %mul3A_254 = arith.muli %scan3A_252, %mul3A_253 : i32
        %dma_start3A_255 = arith.constant 0 : i32
        %dma_start3A_256 = arith.constant 0 : i32
        %dma_start3A_257 = tpu.memref_slice %arg6[%dma_start3A_255, %dma_start3A_256] : memref<8x512xi32, #tpu.memory_space<vmem>> -> memref<8x512xi32, #tpu.memory_space<vmem>>
        %dma_start3A_258 = arith.constant 0 : i32
        %dma_start3A_259 = tpu.memref_slice %arg3[%mul3A_254, %dma_start3A_258] : memref<50x16384xi32, #tpu.memory_space<hbm>> -> memref<8x512xi32, #tpu.memory_space<hbm>>
        %dma_start3A_260 = arith.constant 0 : i32
        %dma_start3A_261 = arith.constant 0 : i32
        %dma_start3A_262 = tpu.memref_slice %arg6[%dma_start3A_260, %dma_start3A_261] : memref<8x512xi32, #tpu.memory_space<vmem>> -> memref<8x512xi32, #tpu.memory_space<vmem>>
        %dma_start3A_263 = arith.constant 0 : i32
        %dma_start3A_264 = tpu.memref_slice %arg3[%mul3A_254, %dma_start3A_263] : memref<50x16384xi32, #tpu.memory_space<hbm>> -> memref<8x512xi32, #tpu.memory_space<hbm>>
        tpu.enqueue_dma source(%dma_start3A_264 : memref<8x512xi32, #tpu.memory_space<hbm>>) target(%dma_start3A_262 : memref<8x512xi32, #tpu.memory_space<vmem>>) target_semaphore(%arg10 : memref<!tpu.dma_semaphore, #tpu.memory_space<semaphore_mem>>)
        %dma_start3A_265 = arith.constant 0 : i32
        %dma_start3A_266 = arith.constant 0 : i32
        %dma_start3A_267 = tpu.memref_slice %arg7[%dma_start3A_265, %dma_start3A_266] : memref<8x512xi32, #tpu.memory_space<vmem>> -> memref<8x512xi32, #tpu.memory_space<vmem>>
        %dma_start3A_268 = arith.constant 512 : i32
        %dma_start3A_269 = tpu.memref_slice %arg3[%mul3A_254, %dma_start3A_268] : memref<50x16384xi32, #tpu.memory_space<hbm>> -> memref<8x512xi32, #tpu.memory_space<hbm>>
        %dma_start3A_270 = arith.constant 0 : i32
        %dma_start3A_271 = arith.constant 0 : i32
        %dma_start3A_272 = tpu.memref_slice %arg7[%dma_start3A_270, %dma_start3A_271] : memref<8x512xi32, #tpu.memory_space<vmem>> -> memref<8x512xi32, #tpu.memory_space<vmem>>
        %dma_start3A_273 = arith.constant 512 : i32
        %dma_start3A_274 = tpu.memref_slice %arg3[%mul3A_254, %dma_start3A_273] : memref<50x16384xi32, #tpu.memory_space<hbm>> -> memref<8x512xi32, #tpu.memory_space<hbm>>
        tpu.enqueue_dma source(%dma_start3A_274 : memref<8x512xi32, #tpu.memory_space<hbm>>) target(%dma_start3A_272 : memref<8x512xi32, #tpu.memory_space<vmem>>) target_semaphore(%arg11 : memref<!tpu.dma_semaphore, #tpu.memory_space<semaphore_mem>>)
        %dma_wait3A_275 = arith.constant 0 : i32
        %dma_wait3A_276 = arith.constant 0 : i32
        %dma_wait3A_277 = tpu.memref_slice %arg6[%dma_wait3A_275, %dma_wait3A_276] : memref<8x512xi32, #tpu.memory_space<vmem>> -> memref<8x512xi32, #tpu.memory_space<vmem>>
        %dma_wait3A_278 = arith.constant 0 : i32
        %dma_wait3A_279 = tpu.memref_slice %arg3[%mul3A_254, %dma_wait3A_278] : memref<50x16384xi32, #tpu.memory_space<hbm>> -> memref<8x512xi32, #tpu.memory_space<hbm>>
        %dma_wait3A_280 = arith.constant 0 : i32
        %dma_wait3A_281 = arith.constant 0 : i32
        %dma_wait3A_282 = tpu.memref_slice %arg6[%dma_wait3A_280, %dma_wait3A_281] : memref<8x512xi32, #tpu.memory_space<vmem>> -> memref<8x512xi32, #tpu.memory_space<vmem>>
        %dma_wait3A_283 = arith.constant 0 : i32
        %dma_wait3A_284 = tpu.memref_slice %arg3[%mul3A_254, %dma_wait3A_283] : memref<50x16384xi32, #tpu.memory_space<hbm>> -> memref<8x512xi32, #tpu.memory_space<hbm>>
        tpu.wait_dma2 semaphore(%arg10 : memref<!tpu.dma_semaphore, #tpu.memory_space<semaphore_mem>>) src(%dma_wait3A_284 : memref<8x512xi32, #tpu.memory_space<hbm>>) dst(%dma_wait3A_282 : memref<8x512xi32, #tpu.memory_space<vmem>>)
        %scan3A_285 = arith.constant 0 : i32
        %scan3A_286 = arith.constant 0 : i32
        %scan3A_287 = arith.constant 8 : i32
        %scan3A_288 = arith.addi %scan3A_286, %scan3A_287 : i32
        %scan3A_289 = arith.constant 1 : i32
        scf.for %scan3A_461 = %scan3A_286 to %scan3A_288 step %scan3A_289  : i32 {
          %parallel_loop3A = arith.constant 0 : i32
          %parallel_loop3A_462 = arith.constant 512 : i32
          %parallel_loop3A_463 = arith.constant 16 : i32
          scf.for %parallel_loop3A_464 = %parallel_loop3A to %parallel_loop3A_462 step %parallel_loop3A_463  : i32 {
            %parallel_loop3A_465 = arith.index_cast %scan3A_461 : i32 to index
            %parallel_loop3A_466 = arith.index_cast %parallel_loop3A_464 : i32 to index
            %parallel_loop3A_467 = tpu.vector_load %arg6[%parallel_loop3A_465, %parallel_loop3A_466] {strides = array<i32>} : memref<8x512xi32, #tpu.memory_space<vmem>>, vector<16xi32>,
            %parallel_loop3A_468 = tpu.vector_load_idx %arg5[%parallel_loop3A_467] : memref<100001xf32, #tpu.memory_space<vmem>>[vector<16xi32>], vector<16xf32>,
            %parallel_loop3A_469 = arith.index_cast %scan3A_461 : i32 to index
            %parallel_loop3A_470 = arith.index_cast %parallel_loop3A_464 : i32 to index
            %parallel_loop3A_471 = tpu.vector_load %arg8[%parallel_loop3A_469, %parallel_loop3A_470] {strides = array<i32>} : memref<8x512xf32, #tpu.memory_space<vmem>>, vector<16xf32>,
            tpu.vector_store %arg8[%parallel_loop3A_469, %parallel_loop3A_470], %parallel_loop3A_468 {strides = array<i32>} : memref<8x512xf32, #tpu.memory_space<vmem>>, vector<16xf32>,
          } {sc.loop_unroll_factor = 8 : i64, sc.parallel_access}
        }
        %scan3A_290 = arith.constant 8 : i32
        %dma_start3A_291 = arith.constant 0 : i32
        %dma_start3A_292 = arith.constant 0 : i32
        %dma_start3A_293 = tpu.memref_slice %arg8[%dma_start3A_291, %dma_start3A_292] : memref<8x512xf32, #tpu.memory_space<vmem>> -> memref<8x512xf32, #tpu.memory_space<vmem>>
        %dma_start3A_294 = arith.constant 0 : i32
        %dma_start3A_295 = tpu.memref_slice %arg4[%mul3A_254, %add3A_9, %dma_start3A_294] : memref<50x64x16384xf32, #tpu.memory_space<hbm>> -> memref<8x1x512xf32, #tpu.memory_space<hbm>>
        %dma_start3A_296 = tpu.memref_squeeze %dma_start3A_295 : memref<8x1x512xf32, #tpu.memory_space<hbm>> -> memref<8x512xf32, #tpu.memory_space<hbm>>
        %dma_start3A_297 = arith.constant 0 : i32
        %dma_start3A_298 = tpu.memref_slice %arg4[%mul3A_254, %add3A_9, %dma_start3A_297] : memref<50x64x16384xf32, #tpu.memory_space<hbm>> -> memref<8x1x512xf32, #tpu.memory_space<hbm>>
        %dma_start3A_299 = tpu.memref_squeeze %dma_start3A_298 : memref<8x1x512xf32, #tpu.memory_space<hbm>> -> memref<8x512xf32, #tpu.memory_space<hbm>>
        %dma_start3A_300 = arith.constant 0 : i32
        %dma_start3A_301 = arith.constant 0 : i32
        %dma_start3A_302 = tpu.memref_slice %arg8[%dma_start3A_300, %dma_start3A_301] : memref<8x512xf32, #tpu.memory_space<vmem>> -> memref<8x512xf32, #tpu.memory_space<vmem>>
        tpu.enqueue_dma source(%dma_start3A_302 : memref<8x512xf32, #tpu.memory_space<vmem>>) target(%dma_start3A_299 : memref<8x512xf32, #tpu.memory_space<hbm>>) target_semaphore(%arg12 : memref<!tpu.dma_semaphore, #tpu.memory_space<semaphore_mem>>)
        %dma_start3A_303 = arith.constant 0 : i32
        %dma_start3A_304 = arith.constant 0 : i32
        %dma_start3A_305 = tpu.memref_slice %arg6[%dma_start3A_303, %dma_start3A_304] : memref<8x512xi32, #tpu.memory_space<vmem>> -> memref<8x512xi32, #tpu.memory_space<vmem>>
        %dma_start3A_306 = arith.constant 1024 : i32
        %dma_start3A_307 = tpu.memref_slice %arg3[%mul3A_254, %dma_start3A_306] : memref<50x16384xi32, #tpu.memory_space<hbm>> -> memref<8x512xi32, #tpu.memory_space<hbm>>
        %dma_start3A_308 = arith.constant 0 : i32
        %dma_start3A_309 = arith.constant 0 : i32
        %dma_start3A_310 = tpu.memref_slice %arg6[%dma_start3A_308, %dma_start3A_309] : memref<8x512xi32, #tpu.memory_space<vmem>> -> memref<8x512xi32, #tpu.memory_space<vmem>>
        %dma_start3A_311 = arith.constant 1024 : i32
        %dma_start3A_312 = tpu.memref_slice %arg3[%mul3A_254, %dma_start3A_311] : memref<50x16384xi32, #tpu.memory_space<hbm>> -> memref<8x512xi32, #tpu.memory_space<hbm>>
        tpu.enqueue_dma source(%dma_start3A_312 : memref<8x512xi32, #tpu.memory_space<hbm>>) target(%dma_start3A_310 : memref<8x512xi32, #tpu.memory_space<vmem>>) target_semaphore(%arg10 : memref<!tpu.dma_semaphore, #tpu.memory_space<semaphore_mem>>)
        %dma_wait3A_313 = arith.constant 0 : i32
        %dma_wait3A_314 = arith.constant 0 : i32
        %dma_wait3A_315 = tpu.memref_slice %arg7[%dma_wait3A_313, %dma_wait3A_314] : memref<8x512xi32, #tpu.memory_space<vmem>> -> memref<8x512xi32, #tpu.memory_space<vmem>>
        %dma_wait3A_316 = arith.constant 512 : i32
        %dma_wait3A_317 = tpu.memref_slice %arg3[%mul3A_254, %dma_wait3A_316] : memref<50x16384xi32, #tpu.memory_space<hbm>> -> memref<8x512xi32, #tpu.memory_space<hbm>>
        %dma_wait3A_318 = arith.constant 0 : i32
        %dma_wait3A_319 = arith.constant 0 : i32
        %dma_wait3A_320 = tpu.memref_slice %arg7[%dma_wait3A_318, %dma_wait3A_319] : memref<8x512xi32, #tpu.memory_space<vmem>> -> memref<8x512xi32, #tpu.memory_space<vmem>>
        %dma_wait3A_321 = arith.constant 512 : i32
        %dma_wait3A_322 = tpu.memref_slice %arg3[%mul3A_254, %dma_wait3A_321] : memref<50x16384xi32, #tpu.memory_space<hbm>> -> memref<8x512xi32, #tpu.memory_space<hbm>>
        tpu.wait_dma2 semaphore(%arg11 : memref<!tpu.dma_semaphore, #tpu.memory_space<semaphore_mem>>) src(%dma_wait3A_322 : memref<8x512xi32, #tpu.memory_space<hbm>>) dst(%dma_wait3A_320 : memref<8x512xi32, #tpu.memory_space<vmem>>)
        %scan3A_323 = arith.constant 0 : i32
        %scan3A_324 = arith.constant 0 : i32
        %scan3A_325 = arith.constant 8 : i32
        %scan3A_326 = arith.addi %scan3A_324, %scan3A_325 : i32
        %scan3A_327 = arith.constant 1 : i32
        scf.for %scan3A_461 = %scan3A_324 to %scan3A_326 step %scan3A_327  : i32 {
          %parallel_loop3A = arith.constant 0 : i32
          %parallel_loop3A_462 = arith.constant 512 : i32
          %parallel_loop3A_463 = arith.constant 16 : i32
          scf.for %parallel_loop3A_464 = %parallel_loop3A to %parallel_loop3A_462 step %parallel_loop3A_463  : i32 {
            %parallel_loop3A_465 = arith.index_cast %scan3A_461 : i32 to index
            %parallel_loop3A_466 = arith.index_cast %parallel_loop3A_464 : i32 to index
            %parallel_loop3A_467 = tpu.vector_load %arg7[%parallel_loop3A_465, %parallel_loop3A_466] {strides = array<i32>} : memref<8x512xi32, #tpu.memory_space<vmem>>, vector<16xi32>,
            %parallel_loop3A_468 = tpu.vector_load_idx %arg5[%parallel_loop3A_467] : memref<100001xf32, #tpu.memory_space<vmem>>[vector<16xi32>], vector<16xf32>,
            %parallel_loop3A_469 = arith.index_cast %scan3A_461 : i32 to index
            %parallel_loop3A_470 = arith.index_cast %parallel_loop3A_464 : i32 to index
            %parallel_loop3A_471 = tpu.vector_load %arg9[%parallel_loop3A_469, %parallel_loop3A_470] {strides = array<i32>} : memref<8x512xf32, #tpu.memory_space<vmem>>, vector<16xf32>,
            tpu.vector_store %arg9[%parallel_loop3A_469, %parallel_loop3A_470], %parallel_loop3A_468 {strides = array<i32>} : memref<8x512xf32, #tpu.memory_space<vmem>>, vector<16xf32>,
          } {sc.loop_unroll_factor = 8 : i64, sc.parallel_access}
        }
        %scan3A_328 = arith.constant 8 : i32
        %dma_start3A_329 = arith.constant 0 : i32
        %dma_start3A_330 = arith.constant 0 : i32
        %dma_start3A_331 = tpu.memref_slice %arg9[%dma_start3A_329, %dma_start3A_330] : memref<8x512xf32, #tpu.memory_space<vmem>> -> memref<8x512xf32, #tpu.memory_space<vmem>>
        %dma_start3A_332 = arith.constant 512 : i32
        %dma_start3A_333 = tpu.memref_slice %arg4[%mul3A_254, %add3A_9, %dma_start3A_332] : memref<50x64x16384xf32, #tpu.memory_space<hbm>> -> memref<8x1x512xf32, #tpu.memory_space<hbm>>
        %dma_start3A_334 = tpu.memref_squeeze %dma_start3A_333 : memref<8x1x512xf32, #tpu.memory_space<hbm>> -> memref<8x512xf32, #tpu.memory_space<hbm>>
        %dma_start3A_335 = arith.constant 512 : i32
        %dma_start3A_336 = tpu.memref_slice %arg4[%mul3A_254, %add3A_9, %dma_start3A_335] : memref<50x64x16384xf32, #tpu.memory_space<hbm>> -> memref<8x1x512xf32, #tpu.memory_space<hbm>>
        %dma_start3A_337 = tpu.memref_squeeze %dma_start3A_336 : memref<8x1x512xf32, #tpu.memory_space<hbm>> -> memref<8x512xf32, #tpu.memory_space<hbm>>
        %dma_start3A_338 = arith.constant 0 : i32
        %dma_start3A_339 = arith.constant 0 : i32
        %dma_start3A_340 = tpu.memref_slice %arg9[%dma_start3A_338, %dma_start3A_339] : memref<8x512xf32, #tpu.memory_space<vmem>> -> memref<8x512xf32, #tpu.memory_space<vmem>>
        tpu.enqueue_dma source(%dma_start3A_340 : memref<8x512xf32, #tpu.memory_space<vmem>>) target(%dma_start3A_337 : memref<8x512xf32, #tpu.memory_space<hbm>>) target_semaphore(%arg13 : memref<!tpu.dma_semaphore, #tpu.memory_space<semaphore_mem>>)
        %dma_start3A_341 = arith.constant 0 : i32
        %dma_start3A_342 = arith.constant 0 : i32
        %dma_start3A_343 = tpu.memref_slice %arg7[%dma_start3A_341, %dma_start3A_342] : memref<8x512xi32, #tpu.memory_space<vmem>> -> memref<8x512xi32, #tpu.memory_space<vmem>>
        %dma_start3A_344 = arith.constant 1536 : i32
        %dma_start3A_345 = tpu.memref_slice %arg3[%mul3A_254, %dma_start3A_344] : memref<50x16384xi32, #tpu.memory_space<hbm>> -> memref<8x512xi32, #tpu.memory_space<hbm>>
        %dma_start3A_346 = arith.constant 0 : i32
        %dma_start3A_347 = arith.constant 0 : i32
        %dma_start3A_348 = tpu.memref_slice %arg7[%dma_start3A_346, %dma_start3A_347] : memref<8x512xi32, #tpu.memory_space<vmem>> -> memref<8x512xi32, #tpu.memory_space<vmem>>
        %dma_start3A_349 = arith.constant 1536 : i32
        %dma_start3A_350 = tpu.memref_slice %arg3[%mul3A_254, %dma_start3A_349] : memref<50x16384xi32, #tpu.memory_space<hbm>> -> memref<8x512xi32, #tpu.memory_space<hbm>>
        tpu.enqueue_dma source(%dma_start3A_350 : memref<8x512xi32, #tpu.memory_space<hbm>>) target(%dma_start3A_348 : memref<8x512xi32, #tpu.memory_space<vmem>>) target_semaphore(%arg11 : memref<!tpu.dma_semaphore, #tpu.memory_space<semaphore_mem>>)
        %scan3A_351 = arith.constant 0 : i32
        %scan3A_352 = arith.constant 1 : i32
        %scan3A_353 = arith.constant 14 : i32
        %scan3A_354 = arith.addi %scan3A_352, %scan3A_353 : i32
        %scan3A_355 = arith.constant 1 : i32
        scf.for %scan3A_461 = %scan3A_352 to %scan3A_354 step %scan3A_355  : i32 {
          %mul3A_462 = arith.constant 2 : i32
          %mul3A_463 = arith.muli %scan3A_461, %mul3A_462 : i32
          %sub3A = arith.constant 2 : i32
          %sub3A_464 = arith.subi %mul3A_463, %sub3A : i32
          %mul3A_465 = arith.constant 512 : i32
          %mul3A_466 = arith.muli %sub3A_464, %mul3A_465 : i32
          %dma_wait3A_467 = arith.constant 0 : i32
          %dma_wait3A_468 = arith.constant 0 : i32
          %dma_wait3A_469 = tpu.memref_slice %arg8[%dma_wait3A_467, %dma_wait3A_468] : memref<8x512xf32, #tpu.memory_space<vmem>> -> memref<8x512xf32, #tpu.memory_space<vmem>>
          %dma_wait3A_470 = tpu.memref_slice %arg4[%mul3A_254, %add3A_9, %mul3A_466] : memref<50x64x16384xf32, #tpu.memory_space<hbm>> -> memref<8x1x512xf32, #tpu.memory_space<hbm>>
          %dma_wait3A_471 = tpu.memref_squeeze %dma_wait3A_470 : memref<8x1x512xf32, #tpu.memory_space<hbm>> -> memref<8x512xf32, #tpu.memory_space<hbm>>
          %dma_wait3A_472 = tpu.memref_slice %arg4[%mul3A_254, %add3A_9, %mul3A_466] : memref<50x64x16384xf32, #tpu.memory_space<hbm>> -> memref<8x1x512xf32, #tpu.memory_space<hbm>>
          %dma_wait3A_473 = tpu.memref_squeeze %dma_wait3A_472 : memref<8x1x512xf32, #tpu.memory_space<hbm>> -> memref<8x512xf32, #tpu.memory_space<hbm>>
          %dma_wait3A_474 = arith.constant 0 : i32
          %dma_wait3A_475 = arith.constant 0 : i32
          %dma_wait3A_476 = tpu.memref_slice %arg8[%dma_wait3A_474, %dma_wait3A_475] : memref<8x512xf32, #tpu.memory_space<vmem>> -> memref<8x512xf32, #tpu.memory_space<vmem>>
          tpu.wait_dma2 semaphore(%arg12 : memref<!tpu.dma_semaphore, #tpu.memory_space<semaphore_mem>>) src(%dma_wait3A_476 : memref<8x512xf32, #tpu.memory_space<vmem>>) dst(%dma_wait3A_473 : memref<8x512xf32, #tpu.memory_space<hbm>>)
          %mul3A_477 = arith.constant 512 : i32
          %mul3A_478 = arith.muli %mul3A_463, %mul3A_477 : i32
          %dma_wait3A_479 = arith.constant 0 : i32
          %dma_wait3A_480 = arith.constant 0 : i32
          %dma_wait3A_481 = tpu.memref_slice %arg6[%dma_wait3A_479, %dma_wait3A_480] : memref<8x512xi32, #tpu.memory_space<vmem>> -> memref<8x512xi32, #tpu.memory_space<vmem>>
          %dma_wait3A_482 = tpu.memref_slice %arg3[%mul3A_254, %mul3A_478] : memref<50x16384xi32, #tpu.memory_space<hbm>> -> memref<8x512xi32, #tpu.memory_space<hbm>>
          %dma_wait3A_483 = arith.constant 0 : i32
          %dma_wait3A_484 = arith.constant 0 : i32
          %dma_wait3A_485 = tpu.memref_slice %arg6[%dma_wait3A_483, %dma_wait3A_484] : memref<8x512xi32, #tpu.memory_space<vmem>> -> memref<8x512xi32, #tpu.memory_space<vmem>>
          %dma_wait3A_486 = tpu.memref_slice %arg3[%mul3A_254, %mul3A_478] : memref<50x16384xi32, #tpu.memory_space<hbm>> -> memref<8x512xi32, #tpu.memory_space<hbm>>
          tpu.wait_dma2 semaphore(%arg10 : memref<!tpu.dma_semaphore, #tpu.memory_space<semaphore_mem>>) src(%dma_wait3A_486 : memref<8x512xi32, #tpu.memory_space<hbm>>) dst(%dma_wait3A_485 : memref<8x512xi32, #tpu.memory_space<vmem>>)
          %scan3A_487 = arith.constant 0 : i32
          %scan3A_488 = arith.constant 0 : i32
          %scan3A_489 = arith.constant 8 : i32
          %scan3A_490 = arith.addi %scan3A_488, %scan3A_489 : i32
          %scan3A_491 = arith.constant 1 : i32
          scf.for %scan3A_573 = %scan3A_488 to %scan3A_490 step %scan3A_491  : i32 {
            %parallel_loop3A = arith.constant 0 : i32
            %parallel_loop3A_574 = arith.constant 512 : i32
            %parallel_loop3A_575 = arith.constant 16 : i32
            scf.for %parallel_loop3A_576 = %parallel_loop3A to %parallel_loop3A_574 step %parallel_loop3A_575  : i32 {
              %parallel_loop3A_577 = arith.index_cast %scan3A_573 : i32 to index
              %parallel_loop3A_578 = arith.index_cast %parallel_loop3A_576 : i32 to index
              %parallel_loop3A_579 = tpu.vector_load %arg6[%parallel_loop3A_577, %parallel_loop3A_578] {strides = array<i32>} : memref<8x512xi32, #tpu.memory_space<vmem>>, vector<16xi32>,
              %parallel_loop3A_580 = tpu.vector_load_idx %arg5[%parallel_loop3A_579] : memref<100001xf32, #tpu.memory_space<vmem>>[vector<16xi32>], vector<16xf32>,
              %parallel_loop3A_581 = arith.index_cast %scan3A_573 : i32 to index
              %parallel_loop3A_582 = arith.index_cast %parallel_loop3A_576 : i32 to index
              %parallel_loop3A_583 = tpu.vector_load %arg8[%parallel_loop3A_581, %parallel_loop3A_582] {strides = array<i32>} : memref<8x512xf32, #tpu.memory_space<vmem>>, vector<16xf32>,
              tpu.vector_store %arg8[%parallel_loop3A_581, %parallel_loop3A_582], %parallel_loop3A_580 {strides = array<i32>} : memref<8x512xf32, #tpu.memory_space<vmem>>, vector<16xf32>,
            } {sc.loop_unroll_factor = 8 : i64, sc.parallel_access}
          }
          %scan3A_492 = arith.constant 8 : i32
          %mul3A_493 = arith.constant 512 : i32
          %mul3A_494 = arith.muli %mul3A_463, %mul3A_493 : i32
          %dma_start3A_495 = arith.constant 0 : i32
          %dma_start3A_496 = arith.constant 0 : i32
          %dma_start3A_497 = tpu.memref_slice %arg8[%dma_start3A_495, %dma_start3A_496] : memref<8x512xf32, #tpu.memory_space<vmem>> -> memref<8x512xf32, #tpu.memory_space<vmem>>
          %dma_start3A_498 = tpu.memref_slice %arg4[%mul3A_254, %add3A_9, %mul3A_494] : memref<50x64x16384xf32, #tpu.memory_space<hbm>> -> memref<8x1x512xf32, #tpu.memory_space<hbm>>
          %dma_start3A_499 = tpu.memref_squeeze %dma_start3A_498 : memref<8x1x512xf32, #tpu.memory_space<hbm>> -> memref<8x512xf32, #tpu.memory_space<hbm>>
          %dma_start3A_500 = tpu.memref_slice %arg4[%mul3A_254, %add3A_9, %mul3A_494] : memref<50x64x16384xf32, #tpu.memory_space<hbm>> -> memref<8x1x512xf32, #tpu.memory_space<hbm>>
          %dma_start3A_501 = tpu.memref_squeeze %dma_start3A_500 : memref<8x1x512xf32, #tpu.memory_space<hbm>> -> memref<8x512xf32, #tpu.memory_space<hbm>>
          %dma_start3A_502 = arith.constant 0 : i32
          %dma_start3A_503 = arith.constant 0 : i32
          %dma_start3A_504 = tpu.memref_slice %arg8[%dma_start3A_502, %dma_start3A_503] : memref<8x512xf32, #tpu.memory_space<vmem>> -> memref<8x512xf32, #tpu.memory_space<vmem>>
          tpu.enqueue_dma source(%dma_start3A_504 : memref<8x512xf32, #tpu.memory_space<vmem>>) target(%dma_start3A_501 : memref<8x512xf32, #tpu.memory_space<hbm>>) target_semaphore(%arg12 : memref<!tpu.dma_semaphore, #tpu.memory_space<semaphore_mem>>)
          %add3A_505 = arith.constant 2 : i32
          %add3A_506 = arith.addi %mul3A_463, %add3A_505 : i32
          %mul3A_507 = arith.constant 512 : i32
          %mul3A_508 = arith.muli %add3A_506, %mul3A_507 : i32
          %dma_start3A_509 = arith.constant 0 : i32
          %dma_start3A_510 = arith.constant 0 : i32
          %dma_start3A_511 = tpu.memref_slice %arg6[%dma_start3A_509, %dma_start3A_510] : memref<8x512xi32, #tpu.memory_space<vmem>> -> memref<8x512xi32, #tpu.memory_space<vmem>>
          %dma_start3A_512 = tpu.memref_slice %arg3[%mul3A_254, %mul3A_508] : memref<50x16384xi32, #tpu.memory_space<hbm>> -> memref<8x512xi32, #tpu.memory_space<hbm>>
          %dma_start3A_513 = arith.constant 0 : i32
          %dma_start3A_514 = arith.constant 0 : i32
          %dma_start3A_515 = tpu.memref_slice %arg6[%dma_start3A_513, %dma_start3A_514] : memref<8x512xi32, #tpu.memory_space<vmem>> -> memref<8x512xi32, #tpu.memory_space<vmem>>
          %dma_start3A_516 = tpu.memref_slice %arg3[%mul3A_254, %mul3A_508] : memref<50x16384xi32, #tpu.memory_space<hbm>> -> memref<8x512xi32, #tpu.memory_space<hbm>>
          tpu.enqueue_dma source(%dma_start3A_516 : memref<8x512xi32, #tpu.memory_space<hbm>>) target(%dma_start3A_515 : memref<8x512xi32, #tpu.memory_space<vmem>>) target_semaphore(%arg10 : memref<!tpu.dma_semaphore, #tpu.memory_space<semaphore_mem>>)
          %add3A_517 = arith.constant 1 : i32
          %add3A_518 = arith.addi %mul3A_463, %add3A_517 : i32
          %sub3A_519 = arith.constant 2 : i32
          %sub3A_520 = arith.subi %add3A_518, %sub3A_519 : i32
          %mul3A_521 = arith.constant 512 : i32
          %mul3A_522 = arith.muli %sub3A_520, %mul3A_521 : i32
          %dma_wait3A_523 = arith.constant 0 : i32
          %dma_wait3A_524 = arith.constant 0 : i32
          %dma_wait3A_525 = tpu.memref_slice %arg9[%dma_wait3A_523, %dma_wait3A_524] : memref<8x512xf32, #tpu.memory_space<vmem>> -> memref<8x512xf32, #tpu.memory_space<vmem>>
          %dma_wait3A_526 = tpu.memref_slice %arg4[%mul3A_254, %add3A_9, %mul3A_522] : memref<50x64x16384xf32, #tpu.memory_space<hbm>> -> memref<8x1x512xf32, #tpu.memory_space<hbm>>
          %dma_wait3A_527 = tpu.memref_squeeze %dma_wait3A_526 : memref<8x1x512xf32, #tpu.memory_space<hbm>> -> memref<8x512xf32, #tpu.memory_space<hbm>>
          %dma_wait3A_528 = tpu.memref_slice %arg4[%mul3A_254, %add3A_9, %mul3A_522] : memref<50x64x16384xf32, #tpu.memory_space<hbm>> -> memref<8x1x512xf32, #tpu.memory_space<hbm>>
          %dma_wait3A_529 = tpu.memref_squeeze %dma_wait3A_528 : memref<8x1x512xf32, #tpu.memory_space<hbm>> -> memref<8x512xf32, #tpu.memory_space<hbm>>
          %dma_wait3A_530 = arith.constant 0 : i32
          %dma_wait3A_531 = arith.constant 0 : i32
          %dma_wait3A_532 = tpu.memref_slice %arg9[%dma_wait3A_530, %dma_wait3A_531] : memref<8x512xf32, #tpu.memory_space<vmem>> -> memref<8x512xf32, #tpu.memory_space<vmem>>
          tpu.wait_dma2 semaphore(%arg13 : memref<!tpu.dma_semaphore, #tpu.memory_space<semaphore_mem>>) src(%dma_wait3A_532 : memref<8x512xf32, #tpu.memory_space<vmem>>) dst(%dma_wait3A_529 : memref<8x512xf32, #tpu.memory_space<hbm>>)
          %mul3A_533 = arith.constant 512 : i32
          %mul3A_534 = arith.muli %add3A_518, %mul3A_533 : i32
          %dma_wait3A_535 = arith.constant 0 : i32
          %dma_wait3A_536 = arith.constant 0 : i32
          %dma_wait3A_537 = tpu.memref_slice %arg7[%dma_wait3A_535, %dma_wait3A_536] : memref<8x512xi32, #tpu.memory_space<vmem>> -> memref<8x512xi32, #tpu.memory_space<vmem>>
          %dma_wait3A_538 = tpu.memref_slice %arg3[%mul3A_254, %mul3A_534] : memref<50x16384xi32, #tpu.memory_space<hbm>> -> memref<8x512xi32, #tpu.memory_space<hbm>>
          %dma_wait3A_539 = arith.constant 0 : i32
          %dma_wait3A_540 = arith.constant 0 : i32
          %dma_wait3A_541 = tpu.memref_slice %arg7[%dma_wait3A_539, %dma_wait3A_540] : memref<8x512xi32, #tpu.memory_space<vmem>> -> memref<8x512xi32, #tpu.memory_space<vmem>>
          %dma_wait3A_542 = tpu.memref_slice %arg3[%mul3A_254, %mul3A_534] : memref<50x16384xi32, #tpu.memory_space<hbm>> -> memref<8x512xi32, #tpu.memory_space<hbm>>
          tpu.wait_dma2 semaphore(%arg11 : memref<!tpu.dma_semaphore, #tpu.memory_space<semaphore_mem>>) src(%dma_wait3A_542 : memref<8x512xi32, #tpu.memory_space<hbm>>) dst(%dma_wait3A_541 : memref<8x512xi32, #tpu.memory_space<vmem>>)
          %scan3A_543 = arith.constant 0 : i32
          %scan3A_544 = arith.constant 0 : i32
          %scan3A_545 = arith.constant 8 : i32
          %scan3A_546 = arith.addi %scan3A_544, %scan3A_545 : i32
          %scan3A_547 = arith.constant 1 : i32
          scf.for %scan3A_573 = %scan3A_544 to %scan3A_546 step %scan3A_547  : i32 {
            %parallel_loop3A = arith.constant 0 : i32
            %parallel_loop3A_574 = arith.constant 512 : i32
            %parallel_loop3A_575 = arith.constant 16 : i32
            scf.for %parallel_loop3A_576 = %parallel_loop3A to %parallel_loop3A_574 step %parallel_loop3A_575  : i32 {
              %parallel_loop3A_577 = arith.index_cast %scan3A_573 : i32 to index
              %parallel_loop3A_578 = arith.index_cast %parallel_loop3A_576 : i32 to index
              %parallel_loop3A_579 = tpu.vector_load %arg7[%parallel_loop3A_577, %parallel_loop3A_578] {strides = array<i32>} : memref<8x512xi32, #tpu.memory_space<vmem>>, vector<16xi32>,
              %parallel_loop3A_580 = tpu.vector_load_idx %arg5[%parallel_loop3A_579] : memref<100001xf32, #tpu.memory_space<vmem>>[vector<16xi32>], vector<16xf32>,
              %parallel_loop3A_581 = arith.index_cast %scan3A_573 : i32 to index
              %parallel_loop3A_582 = arith.index_cast %parallel_loop3A_576 : i32 to index
              %parallel_loop3A_583 = tpu.vector_load %arg9[%parallel_loop3A_581, %parallel_loop3A_582] {strides = array<i32>} : memref<8x512xf32, #tpu.memory_space<vmem>>, vector<16xf32>,
              tpu.vector_store %arg9[%parallel_loop3A_581, %parallel_loop3A_582], %parallel_loop3A_580 {strides = array<i32>} : memref<8x512xf32, #tpu.memory_space<vmem>>, vector<16xf32>,
            } {sc.loop_unroll_factor = 8 : i64, sc.parallel_access}
          }
          %scan3A_548 = arith.constant 8 : i32
          %mul3A_549 = arith.constant 512 : i32
          %mul3A_550 = arith.muli %add3A_518, %mul3A_549 : i32
          %dma_start3A_551 = arith.constant 0 : i32
          %dma_start3A_552 = arith.constant 0 : i32
          %dma_start3A_553 = tpu.memref_slice %arg9[%dma_start3A_551, %dma_start3A_552] : memref<8x512xf32, #tpu.memory_space<vmem>> -> memref<8x512xf32, #tpu.memory_space<vmem>>
          %dma_start3A_554 = tpu.memref_slice %arg4[%mul3A_254, %add3A_9, %mul3A_550] : memref<50x64x16384xf32, #tpu.memory_space<hbm>> -> memref<8x1x512xf32, #tpu.memory_space<hbm>>
          %dma_start3A_555 = tpu.memref_squeeze %dma_start3A_554 : memref<8x1x512xf32, #tpu.memory_space<hbm>> -> memref<8x512xf32, #tpu.memory_space<hbm>>
          %dma_start3A_556 = tpu.memref_slice %arg4[%mul3A_254, %add3A_9, %mul3A_550] : memref<50x64x16384xf32, #tpu.memory_space<hbm>> -> memref<8x1x512xf32, #tpu.memory_space<hbm>>
          %dma_start3A_557 = tpu.memref_squeeze %dma_start3A_556 : memref<8x1x512xf32, #tpu.memory_space<hbm>> -> memref<8x512xf32, #tpu.memory_space<hbm>>
          %dma_start3A_558 = arith.constant 0 : i32
          %dma_start3A_559 = arith.constant 0 : i32
          %dma_start3A_560 = tpu.memref_slice %arg9[%dma_start3A_558, %dma_start3A_559] : memref<8x512xf32, #tpu.memory_space<vmem>> -> memref<8x512xf32, #tpu.memory_space<vmem>>
          tpu.enqueue_dma source(%dma_start3A_560 : memref<8x512xf32, #tpu.memory_space<vmem>>) target(%dma_start3A_557 : memref<8x512xf32, #tpu.memory_space<hbm>>) target_semaphore(%arg13 : memref<!tpu.dma_semaphore, #tpu.memory_space<semaphore_mem>>)
          %add3A_561 = arith.constant 2 : i32
          %add3A_562 = arith.addi %add3A_518, %add3A_561 : i32
          %mul3A_563 = arith.constant 512 : i32
          %mul3A_564 = arith.muli %add3A_562, %mul3A_563 : i32
          %dma_start3A_565 = arith.constant 0 : i32
          %dma_start3A_566 = arith.constant 0 : i32
          %dma_start3A_567 = tpu.memref_slice %arg7[%dma_start3A_565, %dma_start3A_566] : memref<8x512xi32, #tpu.memory_space<vmem>> -> memref<8x512xi32, #tpu.memory_space<vmem>>
          %dma_start3A_568 = tpu.memref_slice %arg3[%mul3A_254, %mul3A_564] : memref<50x16384xi32, #tpu.memory_space<hbm>> -> memref<8x512xi32, #tpu.memory_space<hbm>>
          %dma_start3A_569 = arith.constant 0 : i32
          %dma_start3A_570 = arith.constant 0 : i32
          %dma_start3A_571 = tpu.memref_slice %arg7[%dma_start3A_569, %dma_start3A_570] : memref<8x512xi32, #tpu.memory_space<vmem>> -> memref<8x512xi32, #tpu.memory_space<vmem>>
          %dma_start3A_572 = tpu.memref_slice %arg3[%mul3A_254, %mul3A_564] : memref<50x16384xi32, #tpu.memory_space<hbm>> -> memref<8x512xi32, #tpu.memory_space<hbm>>
          tpu.enqueue_dma source(%dma_start3A_572 : memref<8x512xi32, #tpu.memory_space<hbm>>) target(%dma_start3A_571 : memref<8x512xi32, #tpu.memory_space<vmem>>) target_semaphore(%arg11 : memref<!tpu.dma_semaphore, #tpu.memory_space<semaphore_mem>>)
        }
        %scan3A_356 = arith.constant 14 : i32
        %dma_wait3A_357 = arith.constant 0 : i32
        %dma_wait3A_358 = arith.constant 0 : i32
        %dma_wait3A_359 = tpu.memref_slice %arg8[%dma_wait3A_357, %dma_wait3A_358] : memref<8x512xf32, #tpu.memory_space<vmem>> -> memref<8x512xf32, #tpu.memory_space<vmem>>
        %dma_wait3A_360 = arith.constant 14336 : i32
        %dma_wait3A_361 = tpu.memref_slice %arg4[%mul3A_254, %add3A_9, %dma_wait3A_360] : memref<50x64x16384xf32, #tpu.memory_space<hbm>> -> memref<8x1x512xf32, #tpu.memory_space<hbm>>
        %dma_wait3A_362 = tpu.memref_squeeze %dma_wait3A_361 : memref<8x1x512xf32, #tpu.memory_space<hbm>> -> memref<8x512xf32, #tpu.memory_space<hbm>>
        %dma_wait3A_363 = arith.constant 14336 : i32
        %dma_wait3A_364 = tpu.memref_slice %arg4[%mul3A_254, %add3A_9, %dma_wait3A_363] : memref<50x64x16384xf32, #tpu.memory_space<hbm>> -> memref<8x1x512xf32, #tpu.memory_space<hbm>>
        %dma_wait3A_365 = tpu.memref_squeeze %dma_wait3A_364 : memref<8x1x512xf32, #tpu.memory_space<hbm>> -> memref<8x512xf32, #tpu.memory_space<hbm>>
        %dma_wait3A_366 = arith.constant 0 : i32
        %dma_wait3A_367 = arith.constant 0 : i32
        %dma_wait3A_368 = tpu.memref_slice %arg8[%dma_wait3A_366, %dma_wait3A_367] : memref<8x512xf32, #tpu.memory_space<vmem>> -> memref<8x512xf32, #tpu.memory_space<vmem>>
        tpu.wait_dma2 semaphore(%arg12 : memref<!tpu.dma_semaphore, #tpu.memory_space<semaphore_mem>>) src(%dma_wait3A_368 : memref<8x512xf32, #tpu.memory_space<vmem>>) dst(%dma_wait3A_365 : memref<8x512xf32, #tpu.memory_space<hbm>>)
        %dma_wait3A_369 = arith.constant 0 : i32
        %dma_wait3A_370 = arith.constant 0 : i32
        %dma_wait3A_371 = tpu.memref_slice %arg6[%dma_wait3A_369, %dma_wait3A_370] : memref<8x512xi32, #tpu.memory_space<vmem>> -> memref<8x512xi32, #tpu.memory_space<vmem>>
        %dma_wait3A_372 = arith.constant 15360 : i32
        %dma_wait3A_373 = tpu.memref_slice %arg3[%mul3A_254, %dma_wait3A_372] : memref<50x16384xi32, #tpu.memory_space<hbm>> -> memref<8x512xi32, #tpu.memory_space<hbm>>
        %dma_wait3A_374 = arith.constant 0 : i32
        %dma_wait3A_375 = arith.constant 0 : i32
        %dma_wait3A_376 = tpu.memref_slice %arg6[%dma_wait3A_374, %dma_wait3A_375] : memref<8x512xi32, #tpu.memory_space<vmem>> -> memref<8x512xi32, #tpu.memory_space<vmem>>
        %dma_wait3A_377 = arith.constant 15360 : i32
        %dma_wait3A_378 = tpu.memref_slice %arg3[%mul3A_254, %dma_wait3A_377] : memref<50x16384xi32, #tpu.memory_space<hbm>> -> memref<8x512xi32, #tpu.memory_space<hbm>>
        tpu.wait_dma2 semaphore(%arg10 : memref<!tpu.dma_semaphore, #tpu.memory_space<semaphore_mem>>) src(%dma_wait3A_378 : memref<8x512xi32, #tpu.memory_space<hbm>>) dst(%dma_wait3A_376 : memref<8x512xi32, #tpu.memory_space<vmem>>)
        %scan3A_379 = arith.constant 0 : i32
        %scan3A_380 = arith.constant 0 : i32
        %scan3A_381 = arith.constant 8 : i32
        %scan3A_382 = arith.addi %scan3A_380, %scan3A_381 : i32
        %scan3A_383 = arith.constant 1 : i32
        scf.for %scan3A_461 = %scan3A_380 to %scan3A_382 step %scan3A_383  : i32 {
          %parallel_loop3A = arith.constant 0 : i32
          %parallel_loop3A_462 = arith.constant 512 : i32
          %parallel_loop3A_463 = arith.constant 16 : i32
          scf.for %parallel_loop3A_464 = %parallel_loop3A to %parallel_loop3A_462 step %parallel_loop3A_463  : i32 {
            %parallel_loop3A_465 = arith.index_cast %scan3A_461 : i32 to index
            %parallel_loop3A_466 = arith.index_cast %parallel_loop3A_464 : i32 to index
            %parallel_loop3A_467 = tpu.vector_load %arg6[%parallel_loop3A_465, %parallel_loop3A_466] {strides = array<i32>} : memref<8x512xi32, #tpu.memory_space<vmem>>, vector<16xi32>,
            %parallel_loop3A_468 = tpu.vector_load_idx %arg5[%parallel_loop3A_467] : memref<100001xf32, #tpu.memory_space<vmem>>[vector<16xi32>], vector<16xf32>,
            %parallel_loop3A_469 = arith.index_cast %scan3A_461 : i32 to index
            %parallel_loop3A_470 = arith.index_cast %parallel_loop3A_464 : i32 to index
            %parallel_loop3A_471 = tpu.vector_load %arg8[%parallel_loop3A_469, %parallel_loop3A_470] {strides = array<i32>} : memref<8x512xf32, #tpu.memory_space<vmem>>, vector<16xf32>,
            tpu.vector_store %arg8[%parallel_loop3A_469, %parallel_loop3A_470], %parallel_loop3A_468 {strides = array<i32>} : memref<8x512xf32, #tpu.memory_space<vmem>>, vector<16xf32>,
          } {sc.loop_unroll_factor = 8 : i64, sc.parallel_access}
        }
        %scan3A_384 = arith.constant 8 : i32
        %dma_start3A_385 = arith.constant 0 : i32
        %dma_start3A_386 = arith.constant 0 : i32
        %dma_start3A_387 = tpu.memref_slice %arg8[%dma_start3A_385, %dma_start3A_386] : memref<8x512xf32, #tpu.memory_space<vmem>> -> memref<8x512xf32, #tpu.memory_space<vmem>>
        %dma_start3A_388 = arith.constant 15360 : i32
        %dma_start3A_389 = tpu.memref_slice %arg4[%mul3A_254, %add3A_9, %dma_start3A_388] : memref<50x64x16384xf32, #tpu.memory_space<hbm>> -> memref<8x1x512xf32, #tpu.memory_space<hbm>>
        %dma_start3A_390 = tpu.memref_squeeze %dma_start3A_389 : memref<8x1x512xf32, #tpu.memory_space<hbm>> -> memref<8x512xf32, #tpu.memory_space<hbm>>
        %dma_start3A_391 = arith.constant 15360 : i32
        %dma_start3A_392 = tpu.memref_slice %arg4[%mul3A_254, %add3A_9, %dma_start3A_391] : memref<50x64x16384xf32, #tpu.memory_space<hbm>> -> memref<8x1x512xf32, #tpu.memory_space<hbm>>
        %dma_start3A_393 = tpu.memref_squeeze %dma_start3A_392 : memref<8x1x512xf32, #tpu.memory_space<hbm>> -> memref<8x512xf32, #tpu.memory_space<hbm>>
        %dma_start3A_394 = arith.constant 0 : i32
        %dma_start3A_395 = arith.constant 0 : i32
        %dma_start3A_396 = tpu.memref_slice %arg8[%dma_start3A_394, %dma_start3A_395] : memref<8x512xf32, #tpu.memory_space<vmem>> -> memref<8x512xf32, #tpu.memory_space<vmem>>
        tpu.enqueue_dma source(%dma_start3A_396 : memref<8x512xf32, #tpu.memory_space<vmem>>) target(%dma_start3A_393 : memref<8x512xf32, #tpu.memory_space<hbm>>) target_semaphore(%arg12 : memref<!tpu.dma_semaphore, #tpu.memory_space<semaphore_mem>>)
        %dma_wait3A_397 = arith.constant 0 : i32
        %dma_wait3A_398 = arith.constant 0 : i32
        %dma_wait3A_399 = tpu.memref_slice %arg9[%dma_wait3A_397, %dma_wait3A_398] : memref<8x512xf32, #tpu.memory_space<vmem>> -> memref<8x512xf32, #tpu.memory_space<vmem>>
        %dma_wait3A_400 = arith.constant 14848 : i32
        %dma_wait3A_401 = tpu.memref_slice %arg4[%mul3A_254, %add3A_9, %dma_wait3A_400] : memref<50x64x16384xf32, #tpu.memory_space<hbm>> -> memref<8x1x512xf32, #tpu.memory_space<hbm>>
        %dma_wait3A_402 = tpu.memref_squeeze %dma_wait3A_401 : memref<8x1x512xf32, #tpu.memory_space<hbm>> -> memref<8x512xf32, #tpu.memory_space<hbm>>
        %dma_wait3A_403 = arith.constant 14848 : i32
        %dma_wait3A_404 = tpu.memref_slice %arg4[%mul3A_254, %add3A_9, %dma_wait3A_403] : memref<50x64x16384xf32, #tpu.memory_space<hbm>> -> memref<8x1x512xf32, #tpu.memory_space<hbm>>
        %dma_wait3A_405 = tpu.memref_squeeze %dma_wait3A_404 : memref<8x1x512xf32, #tpu.memory_space<hbm>> -> memref<8x512xf32, #tpu.memory_space<hbm>>
        %dma_wait3A_406 = arith.constant 0 : i32
        %dma_wait3A_407 = arith.constant 0 : i32
        %dma_wait3A_408 = tpu.memref_slice %arg9[%dma_wait3A_406, %dma_wait3A_407] : memref<8x512xf32, #tpu.memory_space<vmem>> -> memref<8x512xf32, #tpu.memory_space<vmem>>
        tpu.wait_dma2 semaphore(%arg13 : memref<!tpu.dma_semaphore, #tpu.memory_space<semaphore_mem>>) src(%dma_wait3A_408 : memref<8x512xf32, #tpu.memory_space<vmem>>) dst(%dma_wait3A_405 : memref<8x512xf32, #tpu.memory_space<hbm>>)
        %dma_wait3A_409 = arith.constant 0 : i32
        %dma_wait3A_410 = arith.constant 0 : i32
        %dma_wait3A_411 = tpu.memref_slice %arg7[%dma_wait3A_409, %dma_wait3A_410] : memref<8x512xi32, #tpu.memory_space<vmem>> -> memref<8x512xi32, #tpu.memory_space<vmem>>
        %dma_wait3A_412 = arith.constant 15872 : i32
        %dma_wait3A_413 = tpu.memref_slice %arg3[%mul3A_254, %dma_wait3A_412] : memref<50x16384xi32, #tpu.memory_space<hbm>> -> memref<8x512xi32, #tpu.memory_space<hbm>>
        %dma_wait3A_414 = arith.constant 0 : i32
        %dma_wait3A_415 = arith.constant 0 : i32
        %dma_wait3A_416 = tpu.memref_slice %arg7[%dma_wait3A_414, %dma_wait3A_415] : memref<8x512xi32, #tpu.memory_space<vmem>> -> memref<8x512xi32, #tpu.memory_space<vmem>>
        %dma_wait3A_417 = arith.constant 15872 : i32
        %dma_wait3A_418 = tpu.memref_slice %arg3[%mul3A_254, %dma_wait3A_417] : memref<50x16384xi32, #tpu.memory_space<hbm>> -> memref<8x512xi32, #tpu.memory_space<hbm>>
        tpu.wait_dma2 semaphore(%arg11 : memref<!tpu.dma_semaphore, #tpu.memory_space<semaphore_mem>>) src(%dma_wait3A_418 : memref<8x512xi32, #tpu.memory_space<hbm>>) dst(%dma_wait3A_416 : memref<8x512xi32, #tpu.memory_space<vmem>>)
        %scan3A_419 = arith.constant 0 : i32
        %scan3A_420 = arith.constant 0 : i32
        %scan3A_421 = arith.constant 8 : i32
        %scan3A_422 = arith.addi %scan3A_420, %scan3A_421 : i32
        %scan3A_423 = arith.constant 1 : i32
        scf.for %scan3A_461 = %scan3A_420 to %scan3A_422 step %scan3A_423  : i32 {
          %parallel_loop3A = arith.constant 0 : i32
          %parallel_loop3A_462 = arith.constant 512 : i32
          %parallel_loop3A_463 = arith.constant 16 : i32
          scf.for %parallel_loop3A_464 = %parallel_loop3A to %parallel_loop3A_462 step %parallel_loop3A_463  : i32 {
            %parallel_loop3A_465 = arith.index_cast %scan3A_461 : i32 to index
            %parallel_loop3A_466 = arith.index_cast %parallel_loop3A_464 : i32 to index
            %parallel_loop3A_467 = tpu.vector_load %arg7[%parallel_loop3A_465, %parallel_loop3A_466] {strides = array<i32>} : memref<8x512xi32, #tpu.memory_space<vmem>>, vector<16xi32>,
            %parallel_loop3A_468 = tpu.vector_load_idx %arg5[%parallel_loop3A_467] : memref<100001xf32, #tpu.memory_space<vmem>>[vector<16xi32>], vector<16xf32>,
            %parallel_loop3A_469 = arith.index_cast %scan3A_461 : i32 to index
            %parallel_loop3A_470 = arith.index_cast %parallel_loop3A_464 : i32 to index
            %parallel_loop3A_471 = tpu.vector_load %arg9[%parallel_loop3A_469, %parallel_loop3A_470] {strides = array<i32>} : memref<8x512xf32, #tpu.memory_space<vmem>>, vector<16xf32>,
            tpu.vector_store %arg9[%parallel_loop3A_469, %parallel_loop3A_470], %parallel_loop3A_468 {strides = array<i32>} : memref<8x512xf32, #tpu.memory_space<vmem>>, vector<16xf32>,
          } {sc.loop_unroll_factor = 8 : i64, sc.parallel_access}
        }
        %scan3A_424 = arith.constant 8 : i32
        %dma_start3A_425 = arith.constant 0 : i32
        %dma_start3A_426 = arith.constant 0 : i32
        %dma_start3A_427 = tpu.memref_slice %arg9[%dma_start3A_425, %dma_start3A_426] : memref<8x512xf32, #tpu.memory_space<vmem>> -> memref<8x512xf32, #tpu.memory_space<vmem>>
        %dma_start3A_428 = arith.constant 15872 : i32
        %dma_start3A_429 = tpu.memref_slice %arg4[%mul3A_254, %add3A_9, %dma_start3A_428] : memref<50x64x16384xf32, #tpu.memory_space<hbm>> -> memref<8x1x512xf32, #tpu.memory_space<hbm>>
        %dma_start3A_430 = tpu.memref_squeeze %dma_start3A_429 : memref<8x1x512xf32, #tpu.memory_space<hbm>> -> memref<8x512xf32, #tpu.memory_space<hbm>>
        %dma_start3A_431 = arith.constant 15872 : i32
        %dma_start3A_432 = tpu.memref_slice %arg4[%mul3A_254, %add3A_9, %dma_start3A_431] : memref<50x64x16384xf32, #tpu.memory_space<hbm>> -> memref<8x1x512xf32, #tpu.memory_space<hbm>>
        %dma_start3A_433 = tpu.memref_squeeze %dma_start3A_432 : memref<8x1x512xf32, #tpu.memory_space<hbm>> -> memref<8x512xf32, #tpu.memory_space<hbm>>
        %dma_start3A_434 = arith.constant 0 : i32
        %dma_start3A_435 = arith.constant 0 : i32
        %dma_start3A_436 = tpu.memref_slice %arg9[%dma_start3A_434, %dma_start3A_435] : memref<8x512xf32, #tpu.memory_space<vmem>> -> memref<8x512xf32, #tpu.memory_space<vmem>>
        tpu.enqueue_dma source(%dma_start3A_436 : memref<8x512xf32, #tpu.memory_space<vmem>>) target(%dma_start3A_433 : memref<8x512xf32, #tpu.memory_space<hbm>>) target_semaphore(%arg13 : memref<!tpu.dma_semaphore, #tpu.memory_space<semaphore_mem>>)
        %dma_wait3A_437 = arith.constant 0 : i32
        %dma_wait3A_438 = arith.constant 0 : i32
        %dma_wait3A_439 = tpu.memref_slice %arg8[%dma_wait3A_437, %dma_wait3A_438] : memref<8x512xf32, #tpu.memory_space<vmem>> -> memref<8x512xf32, #tpu.memory_space<vmem>>
        %dma_wait3A_440 = arith.constant 15360 : i32
        %dma_wait3A_441 = tpu.memref_slice %arg4[%mul3A_254, %add3A_9, %dma_wait3A_440] : memref<50x64x16384xf32, #tpu.memory_space<hbm>> -> memref<8x1x512xf32, #tpu.memory_space<hbm>>
        %dma_wait3A_442 = tpu.memref_squeeze %dma_wait3A_441 : memref<8x1x512xf32, #tpu.memory_space<hbm>> -> memref<8x512xf32, #tpu.memory_space<hbm>>
        %dma_wait3A_443 = arith.constant 15360 : i32
        %dma_wait3A_444 = tpu.memref_slice %arg4[%mul3A_254, %add3A_9, %dma_wait3A_443] : memref<50x64x16384xf32, #tpu.memory_space<hbm>> -> memref<8x1x512xf32, #tpu.memory_space<hbm>>
        %dma_wait3A_445 = tpu.memref_squeeze %dma_wait3A_444 : memref<8x1x512xf32, #tpu.memory_space<hbm>> -> memref<8x512xf32, #tpu.memory_space<hbm>>
        %dma_wait3A_446 = arith.constant 0 : i32
        %dma_wait3A_447 = arith.constant 0 : i32
        %dma_wait3A_448 = tpu.memref_slice %arg8[%dma_wait3A_446, %dma_wait3A_447] : memref<8x512xf32, #tpu.memory_space<vmem>> -> memref<8x512xf32, #tpu.memory_space<vmem>>
        tpu.wait_dma2 semaphore(%arg12 : memref<!tpu.dma_semaphore, #tpu.memory_space<semaphore_mem>>) src(%dma_wait3A_448 : memref<8x512xf32, #tpu.memory_space<vmem>>) dst(%dma_wait3A_445 : memref<8x512xf32, #tpu.memory_space<hbm>>)
        %dma_wait3A_449 = arith.constant 0 : i32
        %dma_wait3A_450 = arith.constant 0 : i32
        %dma_wait3A_451 = tpu.memref_slice %arg9[%dma_wait3A_449, %dma_wait3A_450] : memref<8x512xf32, #tpu.memory_space<vmem>> -> memref<8x512xf32, #tpu.memory_space<vmem>>
        %dma_wait3A_452 = arith.constant 15872 : i32
        %dma_wait3A_453 = tpu.memref_slice %arg4[%mul3A_254, %add3A_9, %dma_wait3A_452] : memref<50x64x16384xf32, #tpu.memory_space<hbm>> -> memref<8x1x512xf32, #tpu.memory_space<hbm>>
        %dma_wait3A_454 = tpu.memref_squeeze %dma_wait3A_453 : memref<8x1x512xf32, #tpu.memory_space<hbm>> -> memref<8x512xf32, #tpu.memory_space<hbm>>
        %dma_wait3A_455 = arith.constant 15872 : i32
        %dma_wait3A_456 = tpu.memref_slice %arg4[%mul3A_254, %add3A_9, %dma_wait3A_455] : memref<50x64x16384xf32, #tpu.memory_space<hbm>> -> memref<8x1x512xf32, #tpu.memory_space<hbm>>
        %dma_wait3A_457 = tpu.memref_squeeze %dma_wait3A_456 : memref<8x1x512xf32, #tpu.memory_space<hbm>> -> memref<8x512xf32, #tpu.memory_space<hbm>>
        %dma_wait3A_458 = arith.constant 0 : i32
        %dma_wait3A_459 = arith.constant 0 : i32
        %dma_wait3A_460 = tpu.memref_slice %arg9[%dma_wait3A_458, %dma_wait3A_459] : memref<8x512xf32, #tpu.memory_space<vmem>> -> memref<8x512xf32, #tpu.memory_space<vmem>>
        tpu.wait_dma2 semaphore(%arg13 : memref<!tpu.dma_semaphore, #tpu.memory_space<semaphore_mem>>) src(%dma_wait3A_460 : memref<8x512xf32, #tpu.memory_space<vmem>>) dst(%dma_wait3A_457 : memref<8x512xf32, #tpu.memory_space<hbm>>)
      }
      %scan3A_15 = arith.constant 6 : i32
      %dma_start3A = arith.constant 0 : i32
      %dma_start3A_16 = arith.constant 0 : i32
      %dma_start3A_17 = tpu.memref_slice %arg6[%dma_start3A, %dma_start3A_16] : memref<8x512xi32, #tpu.memory_space<vmem>> -> memref<2x512xi32, #tpu.memory_space<vmem>>
      %dma_start3A_18 = arith.constant 48 : i32
      %dma_start3A_19 = arith.constant 0 : i32
      %dma_start3A_20 = tpu.memref_slice %arg3[%dma_start3A_18, %dma_start3A_19] : memref<50x16384xi32, #tpu.memory_space<hbm>> -> memref<2x512xi32, #tpu.memory_space<hbm>>
      %dma_start3A_21 = arith.constant 0 : i32
      %dma_start3A_22 = arith.constant 0 : i32
      %dma_start3A_23 = tpu.memref_slice %arg6[%dma_start3A_21, %dma_start3A_22] : memref<8x512xi32, #tpu.memory_space<vmem>> -> memref<2x512xi32, #tpu.memory_space<vmem>>
      %dma_start3A_24 = arith.constant 48 : i32
      %dma_start3A_25 = arith.constant 0 : i32
      %dma_start3A_26 = tpu.memref_slice %arg3[%dma_start3A_24, %dma_start3A_25] : memref<50x16384xi32, #tpu.memory_space<hbm>> -> memref<2x512xi32, #tpu.memory_space<hbm>>
      tpu.enqueue_dma source(%dma_start3A_26 : memref<2x512xi32, #tpu.memory_space<hbm>>) target(%dma_start3A_23 : memref<2x512xi32, #tpu.memory_space<vmem>>) target_semaphore(%arg10 : memref<!tpu.dma_semaphore, #tpu.memory_space<semaphore_mem>>)
      %dma_start3A_27 = arith.constant 0 : i32
      %dma_start3A_28 = arith.constant 0 : i32
      %dma_start3A_29 = tpu.memref_slice %arg7[%dma_start3A_27, %dma_start3A_28] : memref<8x512xi32, #tpu.memory_space<vmem>> -> memref<2x512xi32, #tpu.memory_space<vmem>>
      %dma_start3A_30 = arith.constant 48 : i32
      %dma_start3A_31 = arith.constant 512 : i32
      %dma_start3A_32 = tpu.memref_slice %arg3[%dma_start3A_30, %dma_start3A_31] : memref<50x16384xi32, #tpu.memory_space<hbm>> -> memref<2x512xi32, #tpu.memory_space<hbm>>
      %dma_start3A_33 = arith.constant 0 : i32
      %dma_start3A_34 = arith.constant 0 : i32
      %dma_start3A_35 = tpu.memref_slice %arg7[%dma_start3A_33, %dma_start3A_34] : memref<8x512xi32, #tpu.memory_space<vmem>> -> memref<2x512xi32, #tpu.memory_space<vmem>>
      %dma_start3A_36 = arith.constant 48 : i32
      %dma_start3A_37 = arith.constant 512 : i32
      %dma_start3A_38 = tpu.memref_slice %arg3[%dma_start3A_36, %dma_start3A_37] : memref<50x16384xi32, #tpu.memory_space<hbm>> -> memref<2x512xi32, #tpu.memory_space<hbm>>
      tpu.enqueue_dma source(%dma_start3A_38 : memref<2x512xi32, #tpu.memory_space<hbm>>) target(%dma_start3A_35 : memref<2x512xi32, #tpu.memory_space<vmem>>) target_semaphore(%arg11 : memref<!tpu.dma_semaphore, #tpu.memory_space<semaphore_mem>>)
      %dma_wait3A = arith.constant 0 : i32
      %dma_wait3A_39 = arith.constant 0 : i32
      %dma_wait3A_40 = tpu.memref_slice %arg6[%dma_wait3A, %dma_wait3A_39] : memref<8x512xi32, #tpu.memory_space<vmem>> -> memref<2x512xi32, #tpu.memory_space<vmem>>
      %dma_wait3A_41 = arith.constant 48 : i32
      %dma_wait3A_42 = arith.constant 0 : i32
      %dma_wait3A_43 = tpu.memref_slice %arg3[%dma_wait3A_41, %dma_wait3A_42] : memref<50x16384xi32, #tpu.memory_space<hbm>> -> memref<2x512xi32, #tpu.memory_space<hbm>>
      %dma_wait3A_44 = arith.constant 0 : i32
      %dma_wait3A_45 = arith.constant 0 : i32
      %dma_wait3A_46 = tpu.memref_slice %arg6[%dma_wait3A_44, %dma_wait3A_45] : memref<8x512xi32, #tpu.memory_space<vmem>> -> memref<2x512xi32, #tpu.memory_space<vmem>>
      %dma_wait3A_47 = arith.constant 48 : i32
      %dma_wait3A_48 = arith.constant 0 : i32
      %dma_wait3A_49 = tpu.memref_slice %arg3[%dma_wait3A_47, %dma_wait3A_48] : memref<50x16384xi32, #tpu.memory_space<hbm>> -> memref<2x512xi32, #tpu.memory_space<hbm>>
      tpu.wait_dma2 semaphore(%arg10 : memref<!tpu.dma_semaphore, #tpu.memory_space<semaphore_mem>>) src(%dma_wait3A_49 : memref<2x512xi32, #tpu.memory_space<hbm>>) dst(%dma_wait3A_46 : memref<2x512xi32, #tpu.memory_space<vmem>>)
      %scan3A_50 = arith.constant 0 : i32
      %scan3A_51 = arith.constant 0 : i32
      %scan3A_52 = arith.constant 2 : i32
      %scan3A_53 = arith.addi %scan3A_51, %scan3A_52 : i32
      %scan3A_54 = arith.constant 1 : i32
      scf.for %scan3A_252 = %scan3A_51 to %scan3A_53 step %scan3A_54  : i32 {
        %parallel_loop3A = arith.constant 0 : i32
        %parallel_loop3A_253 = arith.constant 512 : i32
        %parallel_loop3A_254 = arith.constant 16 : i32
        scf.for %parallel_loop3A_255 = %parallel_loop3A to %parallel_loop3A_253 step %parallel_loop3A_254  : i32 {
          %parallel_loop3A_256 = arith.index_cast %scan3A_252 : i32 to index
          %parallel_loop3A_257 = arith.index_cast %parallel_loop3A_255 : i32 to index
          %parallel_loop3A_258 = tpu.vector_load %arg6[%parallel_loop3A_256, %parallel_loop3A_257] {strides = array<i32>} : memref<8x512xi32, #tpu.memory_space<vmem>>, vector<16xi32>,
          %parallel_loop3A_259 = tpu.vector_load_idx %arg5[%parallel_loop3A_258] : memref<100001xf32, #tpu.memory_space<vmem>>[vector<16xi32>], vector<16xf32>,
          %parallel_loop3A_260 = arith.index_cast %scan3A_252 : i32 to index
          %parallel_loop3A_261 = arith.index_cast %parallel_loop3A_255 : i32 to index
          %parallel_loop3A_262 = tpu.vector_load %arg8[%parallel_loop3A_260, %parallel_loop3A_261] {strides = array<i32>} : memref<8x512xf32, #tpu.memory_space<vmem>>, vector<16xf32>,
          tpu.vector_store %arg8[%parallel_loop3A_260, %parallel_loop3A_261], %parallel_loop3A_259 {strides = array<i32>} : memref<8x512xf32, #tpu.memory_space<vmem>>, vector<16xf32>,
        } {sc.loop_unroll_factor = 8 : i64, sc.parallel_access}
      }
      %scan3A_55 = arith.constant 2 : i32
      %dma_start3A_56 = arith.constant 0 : i32
      %dma_start3A_57 = arith.constant 0 : i32
      %dma_start3A_58 = tpu.memref_slice %arg8[%dma_start3A_56, %dma_start3A_57] : memref<8x512xf32, #tpu.memory_space<vmem>> -> memref<2x512xf32, #tpu.memory_space<vmem>>
      %dma_start3A_59 = arith.constant 48 : i32
      %dma_start3A_60 = arith.constant 0 : i32
      %dma_start3A_61 = tpu.memref_slice %arg4[%dma_start3A_59, %add3A_9, %dma_start3A_60] : memref<50x64x16384xf32, #tpu.memory_space<hbm>> -> memref<2x1x512xf32, #tpu.memory_space<hbm>>
      %dma_start3A_62 = tpu.memref_squeeze %dma_start3A_61 : memref<2x1x512xf32, #tpu.memory_space<hbm>> -> memref<2x512xf32, #tpu.memory_space<hbm>>
      %dma_start3A_63 = arith.constant 48 : i32
      %dma_start3A_64 = arith.constant 0 : i32
      %dma_start3A_65 = tpu.memref_slice %arg4[%dma_start3A_63, %add3A_9, %dma_start3A_64] : memref<50x64x16384xf32, #tpu.memory_space<hbm>> -> memref<2x1x512xf32, #tpu.memory_space<hbm>>
      %dma_start3A_66 = tpu.memref_squeeze %dma_start3A_65 : memref<2x1x512xf32, #tpu.memory_space<hbm>> -> memref<2x512xf32, #tpu.memory_space<hbm>>
      %dma_start3A_67 = arith.constant 0 : i32
      %dma_start3A_68 = arith.constant 0 : i32
      %dma_start3A_69 = tpu.memref_slice %arg8[%dma_start3A_67, %dma_start3A_68] : memref<8x512xf32, #tpu.memory_space<vmem>> -> memref<2x512xf32, #tpu.memory_space<vmem>>
      tpu.enqueue_dma source(%dma_start3A_69 : memref<2x512xf32, #tpu.memory_space<vmem>>) target(%dma_start3A_66 : memref<2x512xf32, #tpu.memory_space<hbm>>) target_semaphore(%arg12 : memref<!tpu.dma_semaphore, #tpu.memory_space<semaphore_mem>>)
      %dma_start3A_70 = arith.constant 0 : i32
      %dma_start3A_71 = arith.constant 0 : i32
      %dma_start3A_72 = tpu.memref_slice %arg6[%dma_start3A_70, %dma_start3A_71] : memref<8x512xi32, #tpu.memory_space<vmem>> -> memref<2x512xi32, #tpu.memory_space<vmem>>
      %dma_start3A_73 = arith.constant 48 : i32
      %dma_start3A_74 = arith.constant 1024 : i32
      %dma_start3A_75 = tpu.memref_slice %arg3[%dma_start3A_73, %dma_start3A_74] : memref<50x16384xi32, #tpu.memory_space<hbm>> -> memref<2x512xi32, #tpu.memory_space<hbm>>
      %dma_start3A_76 = arith.constant 0 : i32
      %dma_start3A_77 = arith.constant 0 : i32
      %dma_start3A_78 = tpu.memref_slice %arg6[%dma_start3A_76, %dma_start3A_77] : memref<8x512xi32, #tpu.memory_space<vmem>> -> memref<2x512xi32, #tpu.memory_space<vmem>>
      %dma_start3A_79 = arith.constant 48 : i32
      %dma_start3A_80 = arith.constant 1024 : i32
      %dma_start3A_81 = tpu.memref_slice %arg3[%dma_start3A_79, %dma_start3A_80] : memref<50x16384xi32, #tpu.memory_space<hbm>> -> memref<2x512xi32, #tpu.memory_space<hbm>>
      tpu.enqueue_dma source(%dma_start3A_81 : memref<2x512xi32, #tpu.memory_space<hbm>>) target(%dma_start3A_78 : memref<2x512xi32, #tpu.memory_space<vmem>>) target_semaphore(%arg10 : memref<!tpu.dma_semaphore, #tpu.memory_space<semaphore_mem>>)
      %dma_wait3A_82 = arith.constant 0 : i32
      %dma_wait3A_83 = arith.constant 0 : i32
      %dma_wait3A_84 = tpu.memref_slice %arg7[%dma_wait3A_82, %dma_wait3A_83] : memref<8x512xi32, #tpu.memory_space<vmem>> -> memref<2x512xi32, #tpu.memory_space<vmem>>
      %dma_wait3A_85 = arith.constant 48 : i32
      %dma_wait3A_86 = arith.constant 512 : i32
      %dma_wait3A_87 = tpu.memref_slice %arg3[%dma_wait3A_85, %dma_wait3A_86] : memref<50x16384xi32, #tpu.memory_space<hbm>> -> memref<2x512xi32, #tpu.memory_space<hbm>>
      %dma_wait3A_88 = arith.constant 0 : i32
      %dma_wait3A_89 = arith.constant 0 : i32
      %dma_wait3A_90 = tpu.memref_slice %arg7[%dma_wait3A_88, %dma_wait3A_89] : memref<8x512xi32, #tpu.memory_space<vmem>> -> memref<2x512xi32, #tpu.memory_space<vmem>>
      %dma_wait3A_91 = arith.constant 48 : i32
      %dma_wait3A_92 = arith.constant 512 : i32
      %dma_wait3A_93 = tpu.memref_slice %arg3[%dma_wait3A_91, %dma_wait3A_92] : memref<50x16384xi32, #tpu.memory_space<hbm>> -> memref<2x512xi32, #tpu.memory_space<hbm>>
      tpu.wait_dma2 semaphore(%arg11 : memref<!tpu.dma_semaphore, #tpu.memory_space<semaphore_mem>>) src(%dma_wait3A_93 : memref<2x512xi32, #tpu.memory_space<hbm>>) dst(%dma_wait3A_90 : memref<2x512xi32, #tpu.memory_space<vmem>>)
      %scan3A_94 = arith.constant 0 : i32
      %scan3A_95 = arith.constant 0 : i32
      %scan3A_96 = arith.constant 2 : i32
      %scan3A_97 = arith.addi %scan3A_95, %scan3A_96 : i32
      %scan3A_98 = arith.constant 1 : i32
      scf.for %scan3A_252 = %scan3A_95 to %scan3A_97 step %scan3A_98  : i32 {
        %parallel_loop3A = arith.constant 0 : i32
        %parallel_loop3A_253 = arith.constant 512 : i32
        %parallel_loop3A_254 = arith.constant 16 : i32
        scf.for %parallel_loop3A_255 = %parallel_loop3A to %parallel_loop3A_253 step %parallel_loop3A_254  : i32 {
          %parallel_loop3A_256 = arith.index_cast %scan3A_252 : i32 to index
          %parallel_loop3A_257 = arith.index_cast %parallel_loop3A_255 : i32 to index
          %parallel_loop3A_258 = tpu.vector_load %arg7[%parallel_loop3A_256, %parallel_loop3A_257] {strides = array<i32>} : memref<8x512xi32, #tpu.memory_space<vmem>>, vector<16xi32>,
          %parallel_loop3A_259 = tpu.vector_load_idx %arg5[%parallel_loop3A_258] : memref<100001xf32, #tpu.memory_space<vmem>>[vector<16xi32>], vector<16xf32>,
          %parallel_loop3A_260 = arith.index_cast %scan3A_252 : i32 to index
          %parallel_loop3A_261 = arith.index_cast %parallel_loop3A_255 : i32 to index
          %parallel_loop3A_262 = tpu.vector_load %arg9[%parallel_loop3A_260, %parallel_loop3A_261] {strides = array<i32>} : memref<8x512xf32, #tpu.memory_space<vmem>>, vector<16xf32>,
          tpu.vector_store %arg9[%parallel_loop3A_260, %parallel_loop3A_261], %parallel_loop3A_259 {strides = array<i32>} : memref<8x512xf32, #tpu.memory_space<vmem>>, vector<16xf32>,
        } {sc.loop_unroll_factor = 8 : i64, sc.parallel_access}
      }
      %scan3A_99 = arith.constant 2 : i32
      %dma_start3A_100 = arith.constant 0 : i32
      %dma_start3A_101 = arith.constant 0 : i32
      %dma_start3A_102 = tpu.memref_slice %arg9[%dma_start3A_100, %dma_start3A_101] : memref<8x512xf32, #tpu.memory_space<vmem>> -> memref<2x512xf32, #tpu.memory_space<vmem>>
      %dma_start3A_103 = arith.constant 48 : i32
      %dma_start3A_104 = arith.constant 512 : i32
      %dma_start3A_105 = tpu.memref_slice %arg4[%dma_start3A_103, %add3A_9, %dma_start3A_104] : memref<50x64x16384xf32, #tpu.memory_space<hbm>> -> memref<2x1x512xf32, #tpu.memory_space<hbm>>
      %dma_start3A_106 = tpu.memref_squeeze %dma_start3A_105 : memref<2x1x512xf32, #tpu.memory_space<hbm>> -> memref<2x512xf32, #tpu.memory_space<hbm>>
      %dma_start3A_107 = arith.constant 48 : i32
      %dma_start3A_108 = arith.constant 512 : i32
      %dma_start3A_109 = tpu.memref_slice %arg4[%dma_start3A_107, %add3A_9, %dma_start3A_108] : memref<50x64x16384xf32, #tpu.memory_space<hbm>> -> memref<2x1x512xf32, #tpu.memory_space<hbm>>
      %dma_start3A_110 = tpu.memref_squeeze %dma_start3A_109 : memref<2x1x512xf32, #tpu.memory_space<hbm>> -> memref<2x512xf32, #tpu.memory_space<hbm>>
      %dma_start3A_111 = arith.constant 0 : i32
      %dma_start3A_112 = arith.constant 0 : i32
      %dma_start3A_113 = tpu.memref_slice %arg9[%dma_start3A_111, %dma_start3A_112] : memref<8x512xf32, #tpu.memory_space<vmem>> -> memref<2x512xf32, #tpu.memory_space<vmem>>
      tpu.enqueue_dma source(%dma_start3A_113 : memref<2x512xf32, #tpu.memory_space<vmem>>) target(%dma_start3A_110 : memref<2x512xf32, #tpu.memory_space<hbm>>) target_semaphore(%arg13 : memref<!tpu.dma_semaphore, #tpu.memory_space<semaphore_mem>>)
      %dma_start3A_114 = arith.constant 0 : i32
      %dma_start3A_115 = arith.constant 0 : i32
      %dma_start3A_116 = tpu.memref_slice %arg7[%dma_start3A_114, %dma_start3A_115] : memref<8x512xi32, #tpu.memory_space<vmem>> -> memref<2x512xi32, #tpu.memory_space<vmem>>
      %dma_start3A_117 = arith.constant 48 : i32
      %dma_start3A_118 = arith.constant 1536 : i32
      %dma_start3A_119 = tpu.memref_slice %arg3[%dma_start3A_117, %dma_start3A_118] : memref<50x16384xi32, #tpu.memory_space<hbm>> -> memref<2x512xi32, #tpu.memory_space<hbm>>
      %dma_start3A_120 = arith.constant 0 : i32
      %dma_start3A_121 = arith.constant 0 : i32
      %dma_start3A_122 = tpu.memref_slice %arg7[%dma_start3A_120, %dma_start3A_121] : memref<8x512xi32, #tpu.memory_space<vmem>> -> memref<2x512xi32, #tpu.memory_space<vmem>>
      %dma_start3A_123 = arith.constant 48 : i32
      %dma_start3A_124 = arith.constant 1536 : i32
      %dma_start3A_125 = tpu.memref_slice %arg3[%dma_start3A_123, %dma_start3A_124] : memref<50x16384xi32, #tpu.memory_space<hbm>> -> memref<2x512xi32, #tpu.memory_space<hbm>>
      tpu.enqueue_dma source(%dma_start3A_125 : memref<2x512xi32, #tpu.memory_space<hbm>>) target(%dma_start3A_122 : memref<2x512xi32, #tpu.memory_space<vmem>>) target_semaphore(%arg11 : memref<!tpu.dma_semaphore, #tpu.memory_space<semaphore_mem>>)
      %scan3A_126 = arith.constant 0 : i32
      %scan3A_127 = arith.constant 1 : i32
      %scan3A_128 = arith.constant 14 : i32
      %scan3A_129 = arith.addi %scan3A_127, %scan3A_128 : i32
      %scan3A_130 = arith.constant 1 : i32
      scf.for %scan3A_252 = %scan3A_127 to %scan3A_129 step %scan3A_130  : i32 {
        %mul3A_253 = arith.constant 2 : i32
        %mul3A_254 = arith.muli %scan3A_252, %mul3A_253 : i32
        %sub3A = arith.constant 2 : i32
        %sub3A_255 = arith.subi %mul3A_254, %sub3A : i32
        %mul3A_256 = arith.constant 512 : i32
        %mul3A_257 = arith.muli %sub3A_255, %mul3A_256 : i32
        %dma_wait3A_258 = arith.constant 0 : i32
        %dma_wait3A_259 = arith.constant 0 : i32
        %dma_wait3A_260 = tpu.memref_slice %arg8[%dma_wait3A_258, %dma_wait3A_259] : memref<8x512xf32, #tpu.memory_space<vmem>> -> memref<2x512xf32, #tpu.memory_space<vmem>>
        %dma_wait3A_261 = arith.constant 48 : i32
        %dma_wait3A_262 = tpu.memref_slice %arg4[%dma_wait3A_261, %add3A_9, %mul3A_257] : memref<50x64x16384xf32, #tpu.memory_space<hbm>> -> memref<2x1x512xf32, #tpu.memory_space<hbm>>
        %dma_wait3A_263 = tpu.memref_squeeze %dma_wait3A_262 : memref<2x1x512xf32, #tpu.memory_space<hbm>> -> memref<2x512xf32, #tpu.memory_space<hbm>>
        %dma_wait3A_264 = arith.constant 48 : i32
        %dma_wait3A_265 = tpu.memref_slice %arg4[%dma_wait3A_264, %add3A_9, %mul3A_257] : memref<50x64x16384xf32, #tpu.memory_space<hbm>> -> memref<2x1x512xf32, #tpu.memory_space<hbm>>
        %dma_wait3A_266 = tpu.memref_squeeze %dma_wait3A_265 : memref<2x1x512xf32, #tpu.memory_space<hbm>> -> memref<2x512xf32, #tpu.memory_space<hbm>>
        %dma_wait3A_267 = arith.constant 0 : i32
        %dma_wait3A_268 = arith.constant 0 : i32
        %dma_wait3A_269 = tpu.memref_slice %arg8[%dma_wait3A_267, %dma_wait3A_268] : memref<8x512xf32, #tpu.memory_space<vmem>> -> memref<2x512xf32, #tpu.memory_space<vmem>>
        tpu.wait_dma2 semaphore(%arg12 : memref<!tpu.dma_semaphore, #tpu.memory_space<semaphore_mem>>) src(%dma_wait3A_269 : memref<2x512xf32, #tpu.memory_space<vmem>>) dst(%dma_wait3A_266 : memref<2x512xf32, #tpu.memory_space<hbm>>)
        %mul3A_270 = arith.constant 512 : i32
        %mul3A_271 = arith.muli %mul3A_254, %mul3A_270 : i32
        %dma_wait3A_272 = arith.constant 0 : i32
        %dma_wait3A_273 = arith.constant 0 : i32
        %dma_wait3A_274 = tpu.memref_slice %arg6[%dma_wait3A_272, %dma_wait3A_273] : memref<8x512xi32, #tpu.memory_space<vmem>> -> memref<2x512xi32, #tpu.memory_space<vmem>>
        %dma_wait3A_275 = arith.constant 48 : i32
        %dma_wait3A_276 = tpu.memref_slice %arg3[%dma_wait3A_275, %mul3A_271] : memref<50x16384xi32, #tpu.memory_space<hbm>> -> memref<2x512xi32, #tpu.memory_space<hbm>>
        %dma_wait3A_277 = arith.constant 0 : i32
        %dma_wait3A_278 = arith.constant 0 : i32
        %dma_wait3A_279 = tpu.memref_slice %arg6[%dma_wait3A_277, %dma_wait3A_278] : memref<8x512xi32, #tpu.memory_space<vmem>> -> memref<2x512xi32, #tpu.memory_space<vmem>>
        %dma_wait3A_280 = arith.constant 48 : i32
        %dma_wait3A_281 = tpu.memref_slice %arg3[%dma_wait3A_280, %mul3A_271] : memref<50x16384xi32, #tpu.memory_space<hbm>> -> memref<2x512xi32, #tpu.memory_space<hbm>>
        tpu.wait_dma2 semaphore(%arg10 : memref<!tpu.dma_semaphore, #tpu.memory_space<semaphore_mem>>) src(%dma_wait3A_281 : memref<2x512xi32, #tpu.memory_space<hbm>>) dst(%dma_wait3A_279 : memref<2x512xi32, #tpu.memory_space<vmem>>)
        %scan3A_282 = arith.constant 0 : i32
        %scan3A_283 = arith.constant 0 : i32
        %scan3A_284 = arith.constant 2 : i32
        %scan3A_285 = arith.addi %scan3A_283, %scan3A_284 : i32
        %scan3A_286 = arith.constant 1 : i32
        scf.for %scan3A_380 = %scan3A_283 to %scan3A_285 step %scan3A_286  : i32 {
          %parallel_loop3A = arith.constant 0 : i32
          %parallel_loop3A_381 = arith.constant 512 : i32
          %parallel_loop3A_382 = arith.constant 16 : i32
          scf.for %parallel_loop3A_383 = %parallel_loop3A to %parallel_loop3A_381 step %parallel_loop3A_382  : i32 {
            %parallel_loop3A_384 = arith.index_cast %scan3A_380 : i32 to index
            %parallel_loop3A_385 = arith.index_cast %parallel_loop3A_383 : i32 to index
            %parallel_loop3A_386 = tpu.vector_load %arg6[%parallel_loop3A_384, %parallel_loop3A_385] {strides = array<i32>} : memref<8x512xi32, #tpu.memory_space<vmem>>, vector<16xi32>,
            %parallel_loop3A_387 = tpu.vector_load_idx %arg5[%parallel_loop3A_386] : memref<100001xf32, #tpu.memory_space<vmem>>[vector<16xi32>], vector<16xf32>,
            %parallel_loop3A_388 = arith.index_cast %scan3A_380 : i32 to index
            %parallel_loop3A_389 = arith.index_cast %parallel_loop3A_383 : i32 to index
            %parallel_loop3A_390 = tpu.vector_load %arg8[%parallel_loop3A_388, %parallel_loop3A_389] {strides = array<i32>} : memref<8x512xf32, #tpu.memory_space<vmem>>, vector<16xf32>,
            tpu.vector_store %arg8[%parallel_loop3A_388, %parallel_loop3A_389], %parallel_loop3A_387 {strides = array<i32>} : memref<8x512xf32, #tpu.memory_space<vmem>>, vector<16xf32>,
          } {sc.loop_unroll_factor = 8 : i64, sc.parallel_access}
        }
        %scan3A_287 = arith.constant 2 : i32
        %mul3A_288 = arith.constant 512 : i32
        %mul3A_289 = arith.muli %mul3A_254, %mul3A_288 : i32
        %dma_start3A_290 = arith.constant 0 : i32
        %dma_start3A_291 = arith.constant 0 : i32
        %dma_start3A_292 = tpu.memref_slice %arg8[%dma_start3A_290, %dma_start3A_291] : memref<8x512xf32, #tpu.memory_space<vmem>> -> memref<2x512xf32, #tpu.memory_space<vmem>>
        %dma_start3A_293 = arith.constant 48 : i32
        %dma_start3A_294 = tpu.memref_slice %arg4[%dma_start3A_293, %add3A_9, %mul3A_289] : memref<50x64x16384xf32, #tpu.memory_space<hbm>> -> memref<2x1x512xf32, #tpu.memory_space<hbm>>
        %dma_start3A_295 = tpu.memref_squeeze %dma_start3A_294 : memref<2x1x512xf32, #tpu.memory_space<hbm>> -> memref<2x512xf32, #tpu.memory_space<hbm>>
        %dma_start3A_296 = arith.constant 48 : i32
        %dma_start3A_297 = tpu.memref_slice %arg4[%dma_start3A_296, %add3A_9, %mul3A_289] : memref<50x64x16384xf32, #tpu.memory_space<hbm>> -> memref<2x1x512xf32, #tpu.memory_space<hbm>>
        %dma_start3A_298 = tpu.memref_squeeze %dma_start3A_297 : memref<2x1x512xf32, #tpu.memory_space<hbm>> -> memref<2x512xf32, #tpu.memory_space<hbm>>
        %dma_start3A_299 = arith.constant 0 : i32
        %dma_start3A_300 = arith.constant 0 : i32
        %dma_start3A_301 = tpu.memref_slice %arg8[%dma_start3A_299, %dma_start3A_300] : memref<8x512xf32, #tpu.memory_space<vmem>> -> memref<2x512xf32, #tpu.memory_space<vmem>>
        tpu.enqueue_dma source(%dma_start3A_301 : memref<2x512xf32, #tpu.memory_space<vmem>>) target(%dma_start3A_298 : memref<2x512xf32, #tpu.memory_space<hbm>>) target_semaphore(%arg12 : memref<!tpu.dma_semaphore, #tpu.memory_space<semaphore_mem>>)
        %add3A_302 = arith.constant 2 : i32
        %add3A_303 = arith.addi %mul3A_254, %add3A_302 : i32
        %mul3A_304 = arith.constant 512 : i32
        %mul3A_305 = arith.muli %add3A_303, %mul3A_304 : i32
        %dma_start3A_306 = arith.constant 0 : i32
        %dma_start3A_307 = arith.constant 0 : i32
        %dma_start3A_308 = tpu.memref_slice %arg6[%dma_start3A_306, %dma_start3A_307] : memref<8x512xi32, #tpu.memory_space<vmem>> -> memref<2x512xi32, #tpu.memory_space<vmem>>
        %dma_start3A_309 = arith.constant 48 : i32
        %dma_start3A_310 = tpu.memref_slice %arg3[%dma_start3A_309, %mul3A_305] : memref<50x16384xi32, #tpu.memory_space<hbm>> -> memref<2x512xi32, #tpu.memory_space<hbm>>
        %dma_start3A_311 = arith.constant 0 : i32
        %dma_start3A_312 = arith.constant 0 : i32
        %dma_start3A_313 = tpu.memref_slice %arg6[%dma_start3A_311, %dma_start3A_312] : memref<8x512xi32, #tpu.memory_space<vmem>> -> memref<2x512xi32, #tpu.memory_space<vmem>>
        %dma_start3A_314 = arith.constant 48 : i32
        %dma_start3A_315 = tpu.memref_slice %arg3[%dma_start3A_314, %mul3A_305] : memref<50x16384xi32, #tpu.memory_space<hbm>> -> memref<2x512xi32, #tpu.memory_space<hbm>>
        tpu.enqueue_dma source(%dma_start3A_315 : memref<2x512xi32, #tpu.memory_space<hbm>>) target(%dma_start3A_313 : memref<2x512xi32, #tpu.memory_space<vmem>>) target_semaphore(%arg10 : memref<!tpu.dma_semaphore, #tpu.memory_space<semaphore_mem>>)
        %add3A_316 = arith.constant 1 : i32
        %add3A_317 = arith.addi %mul3A_254, %add3A_316 : i32
        %sub3A_318 = arith.constant 2 : i32
        %sub3A_319 = arith.subi %add3A_317, %sub3A_318 : i32
        %mul3A_320 = arith.constant 512 : i32
        %mul3A_321 = arith.muli %sub3A_319, %mul3A_320 : i32
        %dma_wait3A_322 = arith.constant 0 : i32
        %dma_wait3A_323 = arith.constant 0 : i32
        %dma_wait3A_324 = tpu.memref_slice %arg9[%dma_wait3A_322, %dma_wait3A_323] : memref<8x512xf32, #tpu.memory_space<vmem>> -> memref<2x512xf32, #tpu.memory_space<vmem>>
        %dma_wait3A_325 = arith.constant 48 : i32
        %dma_wait3A_326 = tpu.memref_slice %arg4[%dma_wait3A_325, %add3A_9, %mul3A_321] : memref<50x64x16384xf32, #tpu.memory_space<hbm>> -> memref<2x1x512xf32, #tpu.memory_space<hbm>>
        %dma_wait3A_327 = tpu.memref_squeeze %dma_wait3A_326 : memref<2x1x512xf32, #tpu.memory_space<hbm>> -> memref<2x512xf32, #tpu.memory_space<hbm>>
        %dma_wait3A_328 = arith.constant 48 : i32
        %dma_wait3A_329 = tpu.memref_slice %arg4[%dma_wait3A_328, %add3A_9, %mul3A_321] : memref<50x64x16384xf32, #tpu.memory_space<hbm>> -> memref<2x1x512xf32, #tpu.memory_space<hbm>>
        %dma_wait3A_330 = tpu.memref_squeeze %dma_wait3A_329 : memref<2x1x512xf32, #tpu.memory_space<hbm>> -> memref<2x512xf32, #tpu.memory_space<hbm>>
        %dma_wait3A_331 = arith.constant 0 : i32
        %dma_wait3A_332 = arith.constant 0 : i32
        %dma_wait3A_333 = tpu.memref_slice %arg9[%dma_wait3A_331, %dma_wait3A_332] : memref<8x512xf32, #tpu.memory_space<vmem>> -> memref<2x512xf32, #tpu.memory_space<vmem>>
        tpu.wait_dma2 semaphore(%arg13 : memref<!tpu.dma_semaphore, #tpu.memory_space<semaphore_mem>>) src(%dma_wait3A_333 : memref<2x512xf32, #tpu.memory_space<vmem>>) dst(%dma_wait3A_330 : memref<2x512xf32, #tpu.memory_space<hbm>>)
        %mul3A_334 = arith.constant 512 : i32
        %mul3A_335 = arith.muli %add3A_317, %mul3A_334 : i32
        %dma_wait3A_336 = arith.constant 0 : i32
        %dma_wait3A_337 = arith.constant 0 : i32
        %dma_wait3A_338 = tpu.memref_slice %arg7[%dma_wait3A_336, %dma_wait3A_337] : memref<8x512xi32, #tpu.memory_space<vmem>> -> memref<2x512xi32, #tpu.memory_space<vmem>>
        %dma_wait3A_339 = arith.constant 48 : i32
        %dma_wait3A_340 = tpu.memref_slice %arg3[%dma_wait3A_339, %mul3A_335] : memref<50x16384xi32, #tpu.memory_space<hbm>> -> memref<2x512xi32, #tpu.memory_space<hbm>>
        %dma_wait3A_341 = arith.constant 0 : i32
        %dma_wait3A_342 = arith.constant 0 : i32
        %dma_wait3A_343 = tpu.memref_slice %arg7[%dma_wait3A_341, %dma_wait3A_342] : memref<8x512xi32, #tpu.memory_space<vmem>> -> memref<2x512xi32, #tpu.memory_space<vmem>>
        %dma_wait3A_344 = arith.constant 48 : i32
        %dma_wait3A_345 = tpu.memref_slice %arg3[%dma_wait3A_344, %mul3A_335] : memref<50x16384xi32, #tpu.memory_space<hbm>> -> memref<2x512xi32, #tpu.memory_space<hbm>>
        tpu.wait_dma2 semaphore(%arg11 : memref<!tpu.dma_semaphore, #tpu.memory_space<semaphore_mem>>) src(%dma_wait3A_345 : memref<2x512xi32, #tpu.memory_space<hbm>>) dst(%dma_wait3A_343 : memref<2x512xi32, #tpu.memory_space<vmem>>)
        %scan3A_346 = arith.constant 0 : i32
        %scan3A_347 = arith.constant 0 : i32
        %scan3A_348 = arith.constant 2 : i32
        %scan3A_349 = arith.addi %scan3A_347, %scan3A_348 : i32
        %scan3A_350 = arith.constant 1 : i32
        scf.for %scan3A_380 = %scan3A_347 to %scan3A_349 step %scan3A_350  : i32 {
          %parallel_loop3A = arith.constant 0 : i32
          %parallel_loop3A_381 = arith.constant 512 : i32
          %parallel_loop3A_382 = arith.constant 16 : i32
          scf.for %parallel_loop3A_383 = %parallel_loop3A to %parallel_loop3A_381 step %parallel_loop3A_382  : i32 {
            %parallel_loop3A_384 = arith.index_cast %scan3A_380 : i32 to index
            %parallel_loop3A_385 = arith.index_cast %parallel_loop3A_383 : i32 to index
            %parallel_loop3A_386 = tpu.vector_load %arg7[%parallel_loop3A_384, %parallel_loop3A_385] {strides = array<i32>} : memref<8x512xi32, #tpu.memory_space<vmem>>, vector<16xi32>,
            %parallel_loop3A_387 = tpu.vector_load_idx %arg5[%parallel_loop3A_386] : memref<100001xf32, #tpu.memory_space<vmem>>[vector<16xi32>], vector<16xf32>,
            %parallel_loop3A_388 = arith.index_cast %scan3A_380 : i32 to index
            %parallel_loop3A_389 = arith.index_cast %parallel_loop3A_383 : i32 to index
            %parallel_loop3A_390 = tpu.vector_load %arg9[%parallel_loop3A_388, %parallel_loop3A_389] {strides = array<i32>} : memref<8x512xf32, #tpu.memory_space<vmem>>, vector<16xf32>,
            tpu.vector_store %arg9[%parallel_loop3A_388, %parallel_loop3A_389], %parallel_loop3A_387 {strides = array<i32>} : memref<8x512xf32, #tpu.memory_space<vmem>>, vector<16xf32>,
          } {sc.loop_unroll_factor = 8 : i64, sc.parallel_access}
        }
        %scan3A_351 = arith.constant 2 : i32
        %mul3A_352 = arith.constant 512 : i32
        %mul3A_353 = arith.muli %add3A_317, %mul3A_352 : i32
        %dma_start3A_354 = arith.constant 0 : i32
        %dma_start3A_355 = arith.constant 0 : i32
        %dma_start3A_356 = tpu.memref_slice %arg9[%dma_start3A_354, %dma_start3A_355] : memref<8x512xf32, #tpu.memory_space<vmem>> -> memref<2x512xf32, #tpu.memory_space<vmem>>
        %dma_start3A_357 = arith.constant 48 : i32
        %dma_start3A_358 = tpu.memref_slice %arg4[%dma_start3A_357, %add3A_9, %mul3A_353] : memref<50x64x16384xf32, #tpu.memory_space<hbm>> -> memref<2x1x512xf32, #tpu.memory_space<hbm>>
        %dma_start3A_359 = tpu.memref_squeeze %dma_start3A_358 : memref<2x1x512xf32, #tpu.memory_space<hbm>> -> memref<2x512xf32, #tpu.memory_space<hbm>>
        %dma_start3A_360 = arith.constant 48 : i32
        %dma_start3A_361 = tpu.memref_slice %arg4[%dma_start3A_360, %add3A_9, %mul3A_353] : memref<50x64x16384xf32, #tpu.memory_space<hbm>> -> memref<2x1x512xf32, #tpu.memory_space<hbm>>
        %dma_start3A_362 = tpu.memref_squeeze %dma_start3A_361 : memref<2x1x512xf32, #tpu.memory_space<hbm>> -> memref<2x512xf32, #tpu.memory_space<hbm>>
        %dma_start3A_363 = arith.constant 0 : i32
        %dma_start3A_364 = arith.constant 0 : i32
        %dma_start3A_365 = tpu.memref_slice %arg9[%dma_start3A_363, %dma_start3A_364] : memref<8x512xf32, #tpu.memory_space<vmem>> -> memref<2x512xf32, #tpu.memory_space<vmem>>
        tpu.enqueue_dma source(%dma_start3A_365 : memref<2x512xf32, #tpu.memory_space<vmem>>) target(%dma_start3A_362 : memref<2x512xf32, #tpu.memory_space<hbm>>) target_semaphore(%arg13 : memref<!tpu.dma_semaphore, #tpu.memory_space<semaphore_mem>>)
        %add3A_366 = arith.constant 2 : i32
        %add3A_367 = arith.addi %add3A_317, %add3A_366 : i32
        %mul3A_368 = arith.constant 512 : i32
        %mul3A_369 = arith.muli %add3A_367, %mul3A_368 : i32
        %dma_start3A_370 = arith.constant 0 : i32
        %dma_start3A_371 = arith.constant 0 : i32
        %dma_start3A_372 = tpu.memref_slice %arg7[%dma_start3A_370, %dma_start3A_371] : memref<8x512xi32, #tpu.memory_space<vmem>> -> memref<2x512xi32, #tpu.memory_space<vmem>>
        %dma_start3A_373 = arith.constant 48 : i32
        %dma_start3A_374 = tpu.memref_slice %arg3[%dma_start3A_373, %mul3A_369] : memref<50x16384xi32, #tpu.memory_space<hbm>> -> memref<2x512xi32, #tpu.memory_space<hbm>>
        %dma_start3A_375 = arith.constant 0 : i32
        %dma_start3A_376 = arith.constant 0 : i32
        %dma_start3A_377 = tpu.memref_slice %arg7[%dma_start3A_375, %dma_start3A_376] : memref<8x512xi32, #tpu.memory_space<vmem>> -> memref<2x512xi32, #tpu.memory_space<vmem>>
        %dma_start3A_378 = arith.constant 48 : i32
        %dma_start3A_379 = tpu.memref_slice %arg3[%dma_start3A_378, %mul3A_369] : memref<50x16384xi32, #tpu.memory_space<hbm>> -> memref<2x512xi32, #tpu.memory_space<hbm>>
        tpu.enqueue_dma source(%dma_start3A_379 : memref<2x512xi32, #tpu.memory_space<hbm>>) target(%dma_start3A_377 : memref<2x512xi32, #tpu.memory_space<vmem>>) target_semaphore(%arg11 : memref<!tpu.dma_semaphore, #tpu.memory_space<semaphore_mem>>)
      }
      %scan3A_131 = arith.constant 14 : i32
      %dma_wait3A_132 = arith.constant 0 : i32
      %dma_wait3A_133 = arith.constant 0 : i32
      %dma_wait3A_134 = tpu.memref_slice %arg8[%dma_wait3A_132, %dma_wait3A_133] : memref<8x512xf32, #tpu.memory_space<vmem>> -> memref<2x512xf32, #tpu.memory_space<vmem>>
      %dma_wait3A_135 = arith.constant 48 : i32
      %dma_wait3A_136 = arith.constant 14336 : i32
      %dma_wait3A_137 = tpu.memref_slice %arg4[%dma_wait3A_135, %add3A_9, %dma_wait3A_136] : memref<50x64x16384xf32, #tpu.memory_space<hbm>> -> memref<2x1x512xf32, #tpu.memory_space<hbm>>
      %dma_wait3A_138 = tpu.memref_squeeze %dma_wait3A_137 : memref<2x1x512xf32, #tpu.memory_space<hbm>> -> memref<2x512xf32, #tpu.memory_space<hbm>>
      %dma_wait3A_139 = arith.constant 48 : i32
      %dma_wait3A_140 = arith.constant 14336 : i32
      %dma_wait3A_141 = tpu.memref_slice %arg4[%dma_wait3A_139, %add3A_9, %dma_wait3A_140] : memref<50x64x16384xf32, #tpu.memory_space<hbm>> -> memref<2x1x512xf32, #tpu.memory_space<hbm>>
      %dma_wait3A_142 = tpu.memref_squeeze %dma_wait3A_141 : memref<2x1x512xf32, #tpu.memory_space<hbm>> -> memref<2x512xf32, #tpu.memory_space<hbm>>
      %dma_wait3A_143 = arith.constant 0 : i32
      %dma_wait3A_144 = arith.constant 0 : i32
      %dma_wait3A_145 = tpu.memref_slice %arg8[%dma_wait3A_143, %dma_wait3A_144] : memref<8x512xf32, #tpu.memory_space<vmem>> -> memref<2x512xf32, #tpu.memory_space<vmem>>
      tpu.wait_dma2 semaphore(%arg12 : memref<!tpu.dma_semaphore, #tpu.memory_space<semaphore_mem>>) src(%dma_wait3A_145 : memref<2x512xf32, #tpu.memory_space<vmem>>) dst(%dma_wait3A_142 : memref<2x512xf32, #tpu.memory_space<hbm>>)
      %dma_wait3A_146 = arith.constant 0 : i32
      %dma_wait3A_147 = arith.constant 0 : i32
      %dma_wait3A_148 = tpu.memref_slice %arg6[%dma_wait3A_146, %dma_wait3A_147] : memref<8x512xi32, #tpu.memory_space<vmem>> -> memref<2x512xi32, #tpu.memory_space<vmem>>
      %dma_wait3A_149 = arith.constant 48 : i32
      %dma_wait3A_150 = arith.constant 15360 : i32
      %dma_wait3A_151 = tpu.memref_slice %arg3[%dma_wait3A_149, %dma_wait3A_150] : memref<50x16384xi32, #tpu.memory_space<hbm>> -> memref<2x512xi32, #tpu.memory_space<hbm>>
      %dma_wait3A_152 = arith.constant 0 : i32
      %dma_wait3A_153 = arith.constant 0 : i32
      %dma_wait3A_154 = tpu.memref_slice %arg6[%dma_wait3A_152, %dma_wait3A_153] : memref<8x512xi32, #tpu.memory_space<vmem>> -> memref<2x512xi32, #tpu.memory_space<vmem>>
      %dma_wait3A_155 = arith.constant 48 : i32
      %dma_wait3A_156 = arith.constant 15360 : i32
      %dma_wait3A_157 = tpu.memref_slice %arg3[%dma_wait3A_155, %dma_wait3A_156] : memref<50x16384xi32, #tpu.memory_space<hbm>> -> memref<2x512xi32, #tpu.memory_space<hbm>>
      tpu.wait_dma2 semaphore(%arg10 : memref<!tpu.dma_semaphore, #tpu.memory_space<semaphore_mem>>) src(%dma_wait3A_157 : memref<2x512xi32, #tpu.memory_space<hbm>>) dst(%dma_wait3A_154 : memref<2x512xi32, #tpu.memory_space<vmem>>)
      %scan3A_158 = arith.constant 0 : i32
      %scan3A_159 = arith.constant 0 : i32
      %scan3A_160 = arith.constant 2 : i32
      %scan3A_161 = arith.addi %scan3A_159, %scan3A_160 : i32
      %scan3A_162 = arith.constant 1 : i32
      scf.for %scan3A_252 = %scan3A_159 to %scan3A_161 step %scan3A_162  : i32 {
        %parallel_loop3A = arith.constant 0 : i32
        %parallel_loop3A_253 = arith.constant 512 : i32
        %parallel_loop3A_254 = arith.constant 16 : i32
        scf.for %parallel_loop3A_255 = %parallel_loop3A to %parallel_loop3A_253 step %parallel_loop3A_254  : i32 {
          %parallel_loop3A_256 = arith.index_cast %scan3A_252 : i32 to index
          %parallel_loop3A_257 = arith.index_cast %parallel_loop3A_255 : i32 to index
          %parallel_loop3A_258 = tpu.vector_load %arg6[%parallel_loop3A_256, %parallel_loop3A_257] {strides = array<i32>} : memref<8x512xi32, #tpu.memory_space<vmem>>, vector<16xi32>,
          %parallel_loop3A_259 = tpu.vector_load_idx %arg5[%parallel_loop3A_258] : memref<100001xf32, #tpu.memory_space<vmem>>[vector<16xi32>], vector<16xf32>,
          %parallel_loop3A_260 = arith.index_cast %scan3A_252 : i32 to index
          %parallel_loop3A_261 = arith.index_cast %parallel_loop3A_255 : i32 to index
          %parallel_loop3A_262 = tpu.vector_load %arg8[%parallel_loop3A_260, %parallel_loop3A_261] {strides = array<i32>} : memref<8x512xf32, #tpu.memory_space<vmem>>, vector<16xf32>,
          tpu.vector_store %arg8[%parallel_loop3A_260, %parallel_loop3A_261], %parallel_loop3A_259 {strides = array<i32>} : memref<8x512xf32, #tpu.memory_space<vmem>>, vector<16xf32>,
        } {sc.loop_unroll_factor = 8 : i64, sc.parallel_access}
      }
      %scan3A_163 = arith.constant 2 : i32
      %dma_start3A_164 = arith.constant 0 : i32
      %dma_start3A_165 = arith.constant 0 : i32
      %dma_start3A_166 = tpu.memref_slice %arg8[%dma_start3A_164, %dma_start3A_165] : memref<8x512xf32, #tpu.memory_space<vmem>> -> memref<2x512xf32, #tpu.memory_space<vmem>>
      %dma_start3A_167 = arith.constant 48 : i32
      %dma_start3A_168 = arith.constant 15360 : i32
      %dma_start3A_169 = tpu.memref_slice %arg4[%dma_start3A_167, %add3A_9, %dma_start3A_168] : memref<50x64x16384xf32, #tpu.memory_space<hbm>> -> memref<2x1x512xf32, #tpu.memory_space<hbm>>
      %dma_start3A_170 = tpu.memref_squeeze %dma_start3A_169 : memref<2x1x512xf32, #tpu.memory_space<hbm>> -> memref<2x512xf32, #tpu.memory_space<hbm>>
      %dma_start3A_171 = arith.constant 48 : i32
      %dma_start3A_172 = arith.constant 15360 : i32
      %dma_start3A_173 = tpu.memref_slice %arg4[%dma_start3A_171, %add3A_9, %dma_start3A_172] : memref<50x64x16384xf32, #tpu.memory_space<hbm>> -> memref<2x1x512xf32, #tpu.memory_space<hbm>>
      %dma_start3A_174 = tpu.memref_squeeze %dma_start3A_173 : memref<2x1x512xf32, #tpu.memory_space<hbm>> -> memref<2x512xf32, #tpu.memory_space<hbm>>
      %dma_start3A_175 = arith.constant 0 : i32
      %dma_start3A_176 = arith.constant 0 : i32
      %dma_start3A_177 = tpu.memref_slice %arg8[%dma_start3A_175, %dma_start3A_176] : memref<8x512xf32, #tpu.memory_space<vmem>> -> memref<2x512xf32, #tpu.memory_space<vmem>>
      tpu.enqueue_dma source(%dma_start3A_177 : memref<2x512xf32, #tpu.memory_space<vmem>>) target(%dma_start3A_174 : memref<2x512xf32, #tpu.memory_space<hbm>>) target_semaphore(%arg12 : memref<!tpu.dma_semaphore, #tpu.memory_space<semaphore_mem>>)
      %dma_wait3A_178 = arith.constant 0 : i32
      %dma_wait3A_179 = arith.constant 0 : i32
      %dma_wait3A_180 = tpu.memref_slice %arg9[%dma_wait3A_178, %dma_wait3A_179] : memref<8x512xf32, #tpu.memory_space<vmem>> -> memref<2x512xf32, #tpu.memory_space<vmem>>
      %dma_wait3A_181 = arith.constant 48 : i32
      %dma_wait3A_182 = arith.constant 14848 : i32
      %dma_wait3A_183 = tpu.memref_slice %arg4[%dma_wait3A_181, %add3A_9, %dma_wait3A_182] : memref<50x64x16384xf32, #tpu.memory_space<hbm>> -> memref<2x1x512xf32, #tpu.memory_space<hbm>>
      %dma_wait3A_184 = tpu.memref_squeeze %dma_wait3A_183 : memref<2x1x512xf32, #tpu.memory_space<hbm>> -> memref<2x512xf32, #tpu.memory_space<hbm>>
      %dma_wait3A_185 = arith.constant 48 : i32
      %dma_wait3A_186 = arith.constant 14848 : i32
      %dma_wait3A_187 = tpu.memref_slice %arg4[%dma_wait3A_185, %add3A_9, %dma_wait3A_186] : memref<50x64x16384xf32, #tpu.memory_space<hbm>> -> memref<2x1x512xf32, #tpu.memory_space<hbm>>
      %dma_wait3A_188 = tpu.memref_squeeze %dma_wait3A_187 : memref<2x1x512xf32, #tpu.memory_space<hbm>> -> memref<2x512xf32, #tpu.memory_space<hbm>>
      %dma_wait3A_189 = arith.constant 0 : i32
      %dma_wait3A_190 = arith.constant 0 : i32
      %dma_wait3A_191 = tpu.memref_slice %arg9[%dma_wait3A_189, %dma_wait3A_190] : memref<8x512xf32, #tpu.memory_space<vmem>> -> memref<2x512xf32, #tpu.memory_space<vmem>>
      tpu.wait_dma2 semaphore(%arg13 : memref<!tpu.dma_semaphore, #tpu.memory_space<semaphore_mem>>) src(%dma_wait3A_191 : memref<2x512xf32, #tpu.memory_space<vmem>>) dst(%dma_wait3A_188 : memref<2x512xf32, #tpu.memory_space<hbm>>)
      %dma_wait3A_192 = arith.constant 0 : i32
      %dma_wait3A_193 = arith.constant 0 : i32
      %dma_wait3A_194 = tpu.memref_slice %arg7[%dma_wait3A_192, %dma_wait3A_193] : memref<8x512xi32, #tpu.memory_space<vmem>> -> memref<2x512xi32, #tpu.memory_space<vmem>>
      %dma_wait3A_195 = arith.constant 48 : i32
      %dma_wait3A_196 = arith.constant 15872 : i32
      %dma_wait3A_197 = tpu.memref_slice %arg3[%dma_wait3A_195, %dma_wait3A_196] : memref<50x16384xi32, #tpu.memory_space<hbm>> -> memref<2x512xi32, #tpu.memory_space<hbm>>
      %dma_wait3A_198 = arith.constant 0 : i32
      %dma_wait3A_199 = arith.constant 0 : i32
      %dma_wait3A_200 = tpu.memref_slice %arg7[%dma_wait3A_198, %dma_wait3A_199] : memref<8x512xi32, #tpu.memory_space<vmem>> -> memref<2x512xi32, #tpu.memory_space<vmem>>
      %dma_wait3A_201 = arith.constant 48 : i32
      %dma_wait3A_202 = arith.constant 15872 : i32
      %dma_wait3A_203 = tpu.memref_slice %arg3[%dma_wait3A_201, %dma_wait3A_202] : memref<50x16384xi32, #tpu.memory_space<hbm>> -> memref<2x512xi32, #tpu.memory_space<hbm>>
      tpu.wait_dma2 semaphore(%arg11 : memref<!tpu.dma_semaphore, #tpu.memory_space<semaphore_mem>>) src(%dma_wait3A_203 : memref<2x512xi32, #tpu.memory_space<hbm>>) dst(%dma_wait3A_200 : memref<2x512xi32, #tpu.memory_space<vmem>>)
      %scan3A_204 = arith.constant 0 : i32
      %scan3A_205 = arith.constant 0 : i32
      %scan3A_206 = arith.constant 2 : i32
      %scan3A_207 = arith.addi %scan3A_205, %scan3A_206 : i32
      %scan3A_208 = arith.constant 1 : i32
      scf.for %scan3A_252 = %scan3A_205 to %scan3A_207 step %scan3A_208  : i32 {
        %parallel_loop3A = arith.constant 0 : i32
        %parallel_loop3A_253 = arith.constant 512 : i32
        %parallel_loop3A_254 = arith.constant 16 : i32
        scf.for %parallel_loop3A_255 = %parallel_loop3A to %parallel_loop3A_253 step %parallel_loop3A_254  : i32 {
          %parallel_loop3A_256 = arith.index_cast %scan3A_252 : i32 to index
          %parallel_loop3A_257 = arith.index_cast %parallel_loop3A_255 : i32 to index
          %parallel_loop3A_258 = tpu.vector_load %arg7[%parallel_loop3A_256, %parallel_loop3A_257] {strides = array<i32>} : memref<8x512xi32, #tpu.memory_space<vmem>>, vector<16xi32>,
          %parallel_loop3A_259 = tpu.vector_load_idx %arg5[%parallel_loop3A_258] : memref<100001xf32, #tpu.memory_space<vmem>>[vector<16xi32>], vector<16xf32>,
          %parallel_loop3A_260 = arith.index_cast %scan3A_252 : i32 to index
          %parallel_loop3A_261 = arith.index_cast %parallel_loop3A_255 : i32 to index
          %parallel_loop3A_262 = tpu.vector_load %arg9[%parallel_loop3A_260, %parallel_loop3A_261] {strides = array<i32>} : memref<8x512xf32, #tpu.memory_space<vmem>>, vector<16xf32>,
          tpu.vector_store %arg9[%parallel_loop3A_260, %parallel_loop3A_261], %parallel_loop3A_259 {strides = array<i32>} : memref<8x512xf32, #tpu.memory_space<vmem>>, vector<16xf32>,
        } {sc.loop_unroll_factor = 8 : i64, sc.parallel_access}
      }
      %scan3A_209 = arith.constant 2 : i32
      %dma_start3A_210 = arith.constant 0 : i32
      %dma_start3A_211 = arith.constant 0 : i32
      %dma_start3A_212 = tpu.memref_slice %arg9[%dma_start3A_210, %dma_start3A_211] : memref<8x512xf32, #tpu.memory_space<vmem>> -> memref<2x512xf32, #tpu.memory_space<vmem>>
      %dma_start3A_213 = arith.constant 48 : i32
      %dma_start3A_214 = arith.constant 15872 : i32
      %dma_start3A_215 = tpu.memref_slice %arg4[%dma_start3A_213, %add3A_9, %dma_start3A_214] : memref<50x64x16384xf32, #tpu.memory_space<hbm>> -> memref<2x1x512xf32, #tpu.memory_space<hbm>>
      %dma_start3A_216 = tpu.memref_squeeze %dma_start3A_215 : memref<2x1x512xf32, #tpu.memory_space<hbm>> -> memref<2x512xf32, #tpu.memory_space<hbm>>
      %dma_start3A_217 = arith.constant 48 : i32
      %dma_start3A_218 = arith.constant 15872 : i32
      %dma_start3A_219 = tpu.memref_slice %arg4[%dma_start3A_217, %add3A_9, %dma_start3A_218] : memref<50x64x16384xf32, #tpu.memory_space<hbm>> -> memref<2x1x512xf32, #tpu.memory_space<hbm>>
      %dma_start3A_220 = tpu.memref_squeeze %dma_start3A_219 : memref<2x1x512xf32, #tpu.memory_space<hbm>> -> memref<2x512xf32, #tpu.memory_space<hbm>>
      %dma_start3A_221 = arith.constant 0 : i32
      %dma_start3A_222 = arith.constant 0 : i32
      %dma_start3A_223 = tpu.memref_slice %arg9[%dma_start3A_221, %dma_start3A_222] : memref<8x512xf32, #tpu.memory_space<vmem>> -> memref<2x512xf32, #tpu.memory_space<vmem>>
      tpu.enqueue_dma source(%dma_start3A_223 : memref<2x512xf32, #tpu.memory_space<vmem>>) target(%dma_start3A_220 : memref<2x512xf32, #tpu.memory_space<hbm>>) target_semaphore(%arg13 : memref<!tpu.dma_semaphore, #tpu.memory_space<semaphore_mem>>)
      %dma_wait3A_224 = arith.constant 0 : i32
      %dma_wait3A_225 = arith.constant 0 : i32
      %dma_wait3A_226 = tpu.memref_slice %arg8[%dma_wait3A_224, %dma_wait3A_225] : memref<8x512xf32, #tpu.memory_space<vmem>> -> memref<2x512xf32, #tpu.memory_space<vmem>>
      %dma_wait3A_227 = arith.constant 48 : i32
      %dma_wait3A_228 = arith.constant 15360 : i32
      %dma_wait3A_229 = tpu.memref_slice %arg4[%dma_wait3A_227, %add3A_9, %dma_wait3A_228] : memref<50x64x16384xf32, #tpu.memory_space<hbm>> -> memref<2x1x512xf32, #tpu.memory_space<hbm>>
      %dma_wait3A_230 = tpu.memref_squeeze %dma_wait3A_229 : memref<2x1x512xf32, #tpu.memory_space<hbm>> -> memref<2x512xf32, #tpu.memory_space<hbm>>
      %dma_wait3A_231 = arith.constant 48 : i32
      %dma_wait3A_232 = arith.constant 15360 : i32
      %dma_wait3A_233 = tpu.memref_slice %arg4[%dma_wait3A_231, %add3A_9, %dma_wait3A_232] : memref<50x64x16384xf32, #tpu.memory_space<hbm>> -> memref<2x1x512xf32, #tpu.memory_space<hbm>>
      %dma_wait3A_234 = tpu.memref_squeeze %dma_wait3A_233 : memref<2x1x512xf32, #tpu.memory_space<hbm>> -> memref<2x512xf32, #tpu.memory_space<hbm>>
      %dma_wait3A_235 = arith.constant 0 : i32
      %dma_wait3A_236 = arith.constant 0 : i32
      %dma_wait3A_237 = tpu.memref_slice %arg8[%dma_wait3A_235, %dma_wait3A_236] : memref<8x512xf32, #tpu.memory_space<vmem>> -> memref<2x512xf32, #tpu.memory_space<vmem>>
      tpu.wait_dma2 semaphore(%arg12 : memref<!tpu.dma_semaphore, #tpu.memory_space<semaphore_mem>>) src(%dma_wait3A_237 : memref<2x512xf32, #tpu.memory_space<vmem>>) dst(%dma_wait3A_234 : memref<2x512xf32, #tpu.memory_space<hbm>>)
      %dma_wait3A_238 = arith.constant 0 : i32
      %dma_wait3A_239 = arith.constant 0 : i32
      %dma_wait3A_240 = tpu.memref_slice %arg9[%dma_wait3A_238, %dma_wait3A_239] : memref<8x512xf32, #tpu.memory_space<vmem>> -> memref<2x512xf32, #tpu.memory_space<vmem>>
      %dma_wait3A_241 = arith.constant 48 : i32
      %dma_wait3A_242 = arith.constant 15872 : i32
      %dma_wait3A_243 = tpu.memref_slice %arg4[%dma_wait3A_241, %add3A_9, %dma_wait3A_242] : memref<50x64x16384xf32, #tpu.memory_space<hbm>> -> memref<2x1x512xf32, #tpu.memory_space<hbm>>
      %dma_wait3A_244 = tpu.memref_squeeze %dma_wait3A_243 : memref<2x1x512xf32, #tpu.memory_space<hbm>> -> memref<2x512xf32, #tpu.memory_space<hbm>>
      %dma_wait3A_245 = arith.constant 48 : i32
      %dma_wait3A_246 = arith.constant 15872 : i32
      %dma_wait3A_247 = tpu.memref_slice %arg4[%dma_wait3A_245, %add3A_9, %dma_wait3A_246] : memref<50x64x16384xf32, #tpu.memory_space<hbm>> -> memref<2x1x512xf32, #tpu.memory_space<hbm>>
      %dma_wait3A_248 = tpu.memref_squeeze %dma_wait3A_247 : memref<2x1x512xf32, #tpu.memory_space<hbm>> -> memref<2x512xf32, #tpu.memory_space<hbm>>
      %dma_wait3A_249 = arith.constant 0 : i32
      %dma_wait3A_250 = arith.constant 0 : i32
      %dma_wait3A_251 = tpu.memref_slice %arg9[%dma_wait3A_249, %dma_wait3A_250] : memref<8x512xf32, #tpu.memory_space<vmem>> -> memref<2x512xf32, #tpu.memory_space<vmem>>
      tpu.wait_dma2 semaphore(%arg13 : memref<!tpu.dma_semaphore, #tpu.memory_space<semaphore_mem>>) src(%dma_wait3A_251 : memref<2x512xf32, #tpu.memory_space<vmem>>) dst(%dma_wait3A_248 : memref<2x512xf32, #tpu.memory_space<hbm>>)
    }
    %scan3A_5 = arith.constant 2 : i32
    return
  }
}

</mosaic_0001>

<sc_bundles>
// kernel: kernel.3.cloned.1.call-start
scs
__scs_entry_jumppad:
0x0: {  	(pc) =	sbr.rel $0x88, $3  }
0x1: {  	(tag) =	ssettag $0x0;
	lr =	simm.s32 $0x1  }
0x2: {  	[smem:$0x3F9F] =	sst lr;
	_ =	strace $0xD0000000  }
0x3: {  	_ = 	snop  }
0x4: {  	_ = 	snop  }
0x5: {  	_ = 	snop  }
0x6: {  	_ = 	snop  }
0x7: {  	_ = 	snop  }
__scs_overlays_trampoline_lowered:
0x8: {  	[smem:$0x3FAE] =	sst s0  }
0x9: {  	[smem:$0x3FAF] =	sst s1  }
0xa: {  	[smem:$0x3FB0] =	sst s2  }
0xb: {  	[smem:$0x3FB1] =	sst s3  }
0xc: {  	[smem:$0x3FB2] =	sst s4  }
0xd: {  	[smem:$0x3FB3] =	sst s5  }
0xe: {  	[smem:$0x3FB4] =	sst s6  }
0xf: {  	[smem:$0x3FB5] =	sst s7  }
0x10: {  	[smem:$0x3FB6] =	sst s8  }
0x11: {  	[smem:$0x3FB7] =	sst s9;
	s0 =	simm.s32 @!p0 $0x0  }
0x12: {  	s1 =	sld [smem:$0x3F9D];
	s0 =	simm.s32 @p0 $0x1  }
0x13: {  	[smem:$0x3FB8] =	sst s0;
	s0 =	simm.s32 @!p1 $0x0  }
0x14: {  	s2 =	sld [smem:$0x3F9C];
	s0 =	simm.s32 @p1 $0x1  }
0x15: {  	[smem:$0x3FB9] =	sst s0;
	s0 =	simm.s32 @!p2 $0x0  }
0x16: {  	s3 =	sld [smem:$0x3FDB];
	s0 =	simm.s32 @p2 $0x1  }
0x17: {  	s4 =	simm.s32 $0x1BF5;
	[smem:$0x3FBB] =	sst s0  }
0x18: {  	s0 =	sld [smem:$0x3F9E];
	_ =	swait.ge [sflag:s4], $0x0  }
0x19: {  	s7 =	sld [smem:$0x3F9F]  }
0x1a: {  	s8 =	sadd.s32 $0xFFFFE003, lr  }
0x1b: {  	s9 =	sadd.s32 $0xFFFFFEF7, lr;
	s5 =	simm.s32 $0xFFFFFFFF;
	p2 =	slt.u32 s8, $0xFFFFF086  }
0x1c: {  	p1 =	slt.u32 s9, $0xF7A;
	s5 =	simm.s32 @!p2 $0x0  }
0x1d: {  	s5 =	simm.s32 @p1 $0x1;
	p0 =	seq.s32 s7, s2  }
0x1e: {  	s7 =	smul.u32 @!p0 $0xF7A, s2;
	p2 =	seq.s32 @!p0 s5, $0x0  }
0x1f: {  	s9 =	smul.u32 $0xF7A, s1;
	s8 =	simm.s32 @!p0 $0x1BF5;
	p2 =	por !p2, p0  }
0x20: {  	[sflag:s8] =	ssyncset.s32 @!p0 $0xFFFFF086;
	s6 =	sadd.s32 @!p0 s3, s7;
	s7 =	simm.s32 @!p0 $0x108  }
0x21: {  	s3 =	sadd.s32 s3, s9;
	s6 =	sadd.s32 @!p0 $0x88, s6;
	s7 =	simm.s32 @p2 $0x1082  }
0x22: {  	[simem:s7], [sflag:s8] =	dma.local @!p0 [hbm:s6], $0xF7A  }
0x23: {  	s9 =	sor.u32 $0xD0000000, s2;
	s6 =	simm.s32 $0x108;
	_ =	swait.ge @!p0 [sflag:s8], $0x0  }
0x24: {  	s3 =	sadd.s32 $0x88, s3;
	s6 =	simm.s32 @!p1 $0x1082;
	[sflag:s4] =	ssyncset.s32 $0xFFFFF086  }
0x25: {  	[simem:s6], [sflag:s4] =	dma.local [hbm:s3], $0xF7A  }
0x26: {  	[smem:$0x3F9F] =	sst s1;
	(tag) =	ssettag s2;
	_ =	strace s9  }
0x27: {  	s1 =	sld [smem:$0x3FAF]  }
0x28: {  	s2 =	sld [smem:$0x3FB0]  }
0x29: {  	s4 =	sld [smem:$0x3FB2]  }
0x2a: {  	p0 =	seq.s32 s5, $0x0;
	s5 =	sld [smem:$0x3FB3]  }
0x2b: {  	s6 =	sld [smem:$0x3FB4]  }
0x2c: {  	s7 =	sld [smem:$0x3FB5]  }
0x2d: {  	s3 =	simm.s32 $0x108;
	s8 =	sld [smem:$0x3FB6]  }
0x2e: {  	s3 =	simm.s32 @!p0 $0x1082;
	s9 =	sld [smem:$0x3FB7]  }
0x2f: {  	lr =	sadd.s32 s0, s3;
	s0 =	sld [smem:$0x3FAE]  }
0x30: {  	s3 =	sld [smem:$0x3FB1]  }
0x31: {  	[smem:$0x3FBA] =	sst s10  }
0x32: {  	s10 =	sld [smem:$0x3FB8];
	_ =	sdelay $0x3  }
0x33: {  	p0 =	seq.s32 s10, $0x1;
	s10 =	sld [smem:$0x3FBA];
	_ =	sdelay $0x3  }
0x34: {  	[smem:$0x3FBA] =	sst s10  }
0x35: {  	s10 =	sld [smem:$0x3FB9];
	_ =	sdelay $0x3  }
0x36: {  	p1 =	seq.s32 s10, $0x1;
	s10 =	sld [smem:$0x3FBA];
	_ =	sdelay $0x3  }
0x37: {  	[smem:$0x3FBA] =	sst s10  }
0x38: {  	s10 =	sld [smem:$0x3FBB]  }
0x39: {  	_ = 	snop;
	(pc) =	sbr.ind lr, $3  }
0x3a: {  	_ = 	snop  }
0x3b: {  	_ = 	snop  }
0x3c: {  	p2 =	seq.s32 s10, $0x1;
	s10 =	sld [smem:$0x3FBA]  }
0x3d: {  	_ =	shalt  }
0x3e: {  	_ =	shalt  }
0x3f: {  	_ =	shalt  }
0x40: {  	_ =	shalt  }
0x41: {  	_ =	shalt  }
0x42: {  	_ =	shalt  }
0x43: {  	_ =	shalt  }
0x44: {  	_ =	shalt  }
0x45: {  	_ =	shalt  }
0x46: {  	_ =	shalt  }
0x47: {  	_ =	shalt  }
0x48: {  	_ =	shalt  }
0x49: {  	_ =	shalt  }
0x4a: {  	_ =	shalt  }
0x4b: {  	_ =	shalt  }
0x4c: {  	_ =	shalt  }
0x4d: {  	_ =	shalt  }
0x4e: {  	_ =	shalt  }
0x4f: {  	_ =	shalt  }
0x50: {  	_ =	shalt  }
0x51: {  	_ =	shalt  }
0x52: {  	_ =	shalt  }
0x53: {  	_ =	shalt  }
0x54: {  	_ =	shalt  }
0x55: {  	_ =	shalt  }
0x56: {  	_ =	shalt  }
0x57: {  	_ =	shalt  }
0x58: {  	_ =	shalt  }
0x59: {  	_ =	shalt  }
0x5a: {  	_ =	shalt  }
0x5b: {  	_ =	shalt  }
0x5c: {  	_ =	shalt  }
0x5d: {  	_ =	shalt  }
0x5e: {  	_ =	shalt  }
0x5f: {  	_ =	shalt  }
0x60: {  	_ =	shalt  }
0x61: {  	_ =	shalt  }
0x62: {  	_ =	shalt  }
0x63: {  	_ =	shalt  }
0x64: {  	_ =	shalt  }
0x65: {  	_ =	shalt  }
0x66: {  	_ =	shalt  }
0x67: {  	_ =	shalt  }
0x68: {  	_ =	shalt  }
0x69: {  	_ =	shalt  }
0x6a: {  	_ =	shalt  }
0x6b: {  	_ =	shalt  }
0x6c: {  	_ =	shalt  }
0x6d: {  	_ =	shalt  }
0x6e: {  	_ =	shalt  }
0x6f: {  	_ =	shalt  }
0x70: {  	_ =	shalt  }
0x71: {  	_ =	shalt  }
0x72: {  	_ =	shalt  }
0x73: {  	_ =	shalt  }
0x74: {  	_ =	shalt  }
0x75: {  	_ =	shalt  }
0x76: {  	_ =	shalt  }
0x77: {  	_ =	shalt  }
0x78: {  	_ =	shalt  }
0x79: {  	_ =	shalt  }
0x7a: {  	_ =	shalt  }
0x7b: {  	_ =	shalt  }
0x7c: {  	_ =	shalt  }
0x7d: {  	_ =	shalt  }
0x7e: {  	_ =	shalt  }
0x7f: {  	_ =	shalt  }
0x80: {  	_ =	shalt  }
0x81: {  	_ =	shalt  }
0x82: {  	_ =	shalt  }
0x83: {  	_ =	shalt  }
0x84: {  	_ =	shalt  }
0x85: {  	_ =	shalt  }
0x86: {  	_ =	shalt  }
0x87: {  	_ =	shalt  }
.Lfunc_end0:
.L_simem_size_0:
called_computation_lowered:
.L_overlay_start_0:
0x88: {  	s2 =	sld [smem:$0x3FD9]  }
0x89: {  	s3 =	sld [smem:$0x3FFE];
	_ =	sdelay $0x1  }
0x8a: {  	s1 =	srdreg.scid  }
0x8b: {  	s0 =	sand.u32 $0x1, s1  }
0x8c: {  	s18 =	sshll.u32 s0, $0xA;
	s2 =	sadd.s32 s3, s2  }
0x8d: {  	s2 =	sadd.s32 s2, s18  }
0x8e: {  	[smem:$0x3FC6] =	sst s2  }
0x8f: {  	_ = 	snop  }
0x90: {  	s2 =	sld [smem:$0x3FC9]  }
0x91: {  	s19 =	sld [smem:$0x3FC8]  }
0x92: {  	s4 =	sld [smem:$0x3FD0];
	(tm) =	ssettm $0x1  }
0x93: {  	s5 =	sld [smem:$0x3FFB];
	_ =	sdelay $0x3  }
0x94: {  	_ =	strace s5  }
0x95: {  	s5 =	sld [smem:$0x3FFC];
	_ =	sdelay $0x3  }
0x96: {  	_ =	strace s5  }
0x97: {  	s5 =	sld [smem:$0x3FFD];
	_ =	sdelay $0x3  }
0x98: {  	_ =	strace s5  }
0x99: {  	_ =	strace $0x8FFFFFFF  }
0x9a: {  	s20 =	sld [smem:$0x3FDB];
	_ =	sdelay $0x1  }
0x9b: {  	s6 =	simm.s32 $_scs_section_size  }
0x9c: {  	s7 =	simm.s32 $_size__tile_overlayer_lowered;
	s8 =	simm.s32 $_tile_overlayer_lowered  }
0x9d: {  	s23 =	simm.s32 $0x1BFF;
	s22 =	sshll.u32 s8, $0x1;
	s5 =	sadd.s32 s6, s20  }
0x9e: {  	s9 =	simm.s32 $0x0;
	s21 =	sshll.u32 s7, $0x1;
	s7 =	sadd.s32 s22, s5  }
0x9f: {  	[timem:s9], [sflag:s23] =	dma.local [hbm:s7], s21  }
0xa0: {  	_ =	swait.ge [sflag:s23], s21  }
0xa1: {  	s6 =	ssub.s32 $0x0, s21;
	[sflag:s23] =	ssyncset.done $0x0  }
0xa2: {  	[sflag:s23] =	ssyncadd.s32 s6;
	_ =	sdelay $0x1  }
0xa3: {  	s24 =	simm.s32 $0x1B8B  }
0xa4: {  	_ =	swait.ge [sflag:s24], $0x1  }
0xa5: {  	[sflag:s24] =	ssyncset.done $0x0  }
0xa6: {  	s25 =	simm.s32 $0x1B8E;
	[sflag:s24] =	ssyncadd.s32 $0xFFFFFFFF  }
0xa7: {  	s26 =	simm.s32 $execute0_lowered;
	[smem:$0x3FD2] =	sst s25  }
0xa8: {  	s6 =	sshll.u32 s26, $0x1;
	_ =	strace $0x80000046;
	[dreg:$0x1] =	wrdreg $0xFFFFFFFF  }
0xa9: {  	s28 =	simm.s32 $_size_execute0_lowered;
	s5 =	sadd.s32 s5, s6;
	[dreg:$0x0] =	wrdreg $0x0  }
0xaa: {  	s6 =	sshll.u32 s28, $0x1;
	[dreg:$0x2] =	wrdreg s5  }
0xab: {  	[dreg:$0x3] =	wrdreg s6  }
0xac: {  	[dreg:$0x4] =	wrdreg $0xC0  }
0xad: {  	_ =	task [dreg:s9], $0x5FFFF  }
0xae: {  	[dreg:$0x1] =	wrdreg $0xFFFFFFFF  }
0xaf: {  	[dreg:$0x0] =	wrdreg $0x60  }
0xb0: {  	[dreg:$0x2] =	wrdreg s19  }
0xb1: {  	[dreg:$0x3] =	wrdreg s2  }
0xb2: {  	[dreg:$0x4] =	wrdreg s4  }
0xb3: {  	[dreg:$0x5] =	wrdreg $0x9  }
0xb4: {  	_ =	task.clear_ibuf [dreg:s9], $0x6FFFF;
	_ =	strace $0x90000046  }
0xb5: {  	s29 =	simm.s32 $0x9;
	_ =	strace $0x80000048  }
0xb6: {  	_ =	swait.ge [sflag:s29], $0x1  }
0xb7: {  	[sflag:s29] =	ssyncadd.s32 $0xFFFFFFFF  }
0xb8: {  	_ =	strace $0x90000048  }
0xb9: {  	_ =	sfence  }
0xba: {  	s30 =	sld [smem:$0x0];
	_ =	sdelay $0x2  }
0xbb: {  	s31 =	sshll.u32 s1, $0xD;
	s1 =	sshrl.u32 s1, $0x2  }
0xbc: {  	s3 =	sand.u32 $0x4000, s31;
	s1 =	sadd.s32 s1, s30  }
0xbd: {  	s0 =	sor.u32 s3, s0;
	s1 =	sshll.u32 s1, $0x11  }
0xbe: {  	s0 =	sor.u32 s1, s0  }
0xbf: {  	s0 =	sadd.s32 $0x8F2B, s0  }
0xc0: {  	[sflag:s0] =	ssyncadd.remote.s32 $0x1  }
0xc1: {  	_ =	sfence.sel $0xFFFF  }
0xc2: {  	[dreg:$0x0] =	wrdreg $0xFFFFFFFF;
	(pc) =	sbr.abs _section_cstart, $3  }
0xc3: {  	[dreg:$0x1] =	wrdreg $0xFFFFFFFF  }
0xc4: {  	_ =	task.clear_ibuf [dreg:s9], $0x2FFFF;
	_ =	strace $0x9FFFFFFF  }
0xc5: {  	(tm) =	ssettm $0x7FFFFFFF  }
tec
execute0_lowered:
.L_overlay_start_1:
0x0: {  	(tag) =	ssettag $0x1  }
0x1: {  	s2 =	rddreg [dreg:$0x1]  }
0x2: {  	s3 =	rddreg [dreg:$0x2];
	s0 =	srdreg.scid;
	s4 =	simm.s32 $0x0  }
0x3: {  	s6 =	stileid.u32;
	[smem:$0x7FF] =	sst s4;
	s15 =	sadd.s32 $0x200, s2  }
0x4: {  	s16 =	sadd.s32 $0x400, s2;
	_ =	strace $0x80000047;
	[dreg:$0x5] =	wrdreg s15  }
0x5: {  	s29 =	simm.s32 $0x19700;
	s17 =	sadd.s32 $0x200, s3;
	[dreg:$0x7] =	wrdreg s16  }
0x6: {  	s30 =	simm.s32 $0x1;
	s18 =	sadd.s32 $0x600, s2;
	[dreg:$0x8] =	wrdreg s17  }
0x7: {  	s31 =	simm.s32 $0x100000;
	s19 =	sadd.s32 $0x3E00, s3;
	[dreg:$0x9] =	wrdreg s18  }
0x8: {  	s8 =	simm.s32 $0x1BB00;
	s20 =	sadd.s32 $0x18000, s2;
	[dreg:$0xa] =	wrdreg s19  }
0x9: {  	s9 =	simm.s32 $0x0;
	s21 =	sadd.s32 $0x18200, s2;
	[dreg:$0xb] =	wrdreg s20  }
0xa: {  	s0 =	sand.u32 $0x1, s0;
	s22 =	sadd.s32 $0x18400, s2;
	[dreg:$0xc] =	wrdreg s21  }
0xb: {  	s14 =	sshll.u32 s6, $0x9;
	s23 =	sadd.s32 $0x3C00, s3;
	[dreg:$0xe] =	wrdreg s22  }
0xc: {  	s6 =	sshrl.u32 s6, $0x1;
	s24 =	sadd.s32 $0x600200, s3;
	[dreg:$0xf] =	wrdreg s23  }
0xd: {  	s25 =	sadd.s32 $0x603C00, s3;
	s26 =	sadd.s32 $0x18600, s2;
	[dreg:$0x10] =	wrdreg s24  }
0xe: {  	s28 =	sadd.s32 $0x603E00, s3;
	s1 =	ssub.s32 $0x2, s0;
	[dreg:$0x11] =	wrdreg s25  }
0xf: {  	s0 =	sshll.u32 s0, $0x8;
	s7 =	smul.u32 $0xC3800, s6;
	[dreg:$0x12] =	wrdreg s26  }
0x10: {  	s6 =	sshll.u32 s6, $0x11;
	[dreg:$0x13] =	wrdreg s28;
	s24 =	simm.s32 $0x80  }
0x11: {  	s22 =	simm.s32 $0x1AF00;
	s25 =	simm.s32 $0x2;
	s15 =	simm.s32 $0x1BF00  }
0x12: {  	s18 =	simm.s32 $0x1C300;
	s19 =	simm.s32 $0x3;
	[dreg:$0x6] =	wrdreg s6  }
0x13: {  	s5 =	sshrl.u32 s1, $0x1;
	s6 =	sor.u32 $0x3000000, s6;
	[dreg:$0x4] =	wrdreg s7  }
0x14: {  	s21 =	simm.s32 $0x4;
	s1 =	ssub.s32 s1, s5;
	[dreg:$0xd] =	wrdreg s6  }
0x15: {  	s5 =	sand.u32 $0x200, s14;
	s6 =	simm.s32 $0x1B700;
	s1 =	smax.u32 s1, $0x1  }
0x16: {  	s0 =	sor.u32 s0, s5;
	s5 =	simm.s32 $0x1AB00;
	[dreg:$0x14] =	wrdreg s1  }
0x17: {  	[dreg:$0x15] =	wrdreg s0;
	s0 =	simm.s32 $0x1A700;
	s1 =	simm.s32 $0x1B300  }
.LBB2_1:
0x18: {  	[dreg:$0x16] =	wrdreg s9;
	p1 =	por $0x1, $0x1;
	s7 =	simm.s32 $0x0  }
.LBB2_2:
0x19: {  	s9 =	rddreg [dreg:$0x15]  }
0x1a: {  	s17 =	rddreg [dreg:$0x4];
	s10 =	sor.u32 s9, s7  }
0x1b: {  	s7 =	sor.u32 s17, s10  }
0x1c: {  	s20 =	rddreg [dreg:$0x0];
	s11 =	simm.s32 $0x0;
	s7 =	sshrl.u32 s7, $0x3  }
0x1d: {  	s23 =	simm.s32 $0x400;
	s26 =	simm.s32 $0x5;
	s7 =	sadd.s32 s20, s7  }
0x1e: {  	[tilespmem:s11], [sflag:$0x5] =	stream.strided.gather [hbm4b:s7+s24], $0x18700, s23, s24, $0x38;
	[tilespmem:$0x1C700] =	vst v63  }
0x1f: {  	_ =	swait.ge [sflag:s26], $0x18700  }
0x20: {  	p0 =	por p1, p1;
	s28 =	rddreg [dreg:$0x6]  }
0x21: {  	[dreg:$0x18] =	wrdreg s10;
	[sflag:s26] =	ssyncset.done $0x0;
	s17 =	sor.u32 s28, s10  }
0x22: {  	s23 =	simm.s32 $0x0;
	[sflag:s26] =	ssyncadd.s32 $0xFFFE7900;
	[dreg:$0x17] =	wrdreg s17  }
.LBB2_3:
0x23: {  	s9 =	sshll.u32 s23, $0xE;
	s10 =	simm.s32 $0x18700  }
0x24: {  	s11 =	simm.s32 $0x0;
	s28 =	rddreg [dreg:$0x5];
	s7 =	sadd.s32 s2, s9  }
0x25: {  	[tilespmem:s10], [sflag:$0x1] =	stream.linear.gather [hbm4b:s7+s11], $0x1000, $0x38;
	[tilespmem:$0x1C700] =	vst v63  }
0x26: {  	s7 =	sadd.s32 s9, s28  }
0x27: {  	[tilespmem:s29], [sflag:$0x2] =	stream.linear.gather [hbm4b:s7+s11], $0x1000, $0x38;
	[tilespmem:$0x1C700] =	vst v63  }
0x28: {  	_ =	swait.ge [sflag:s30], $0x1000  }
0x29: {  	s10 =	simm.s32 $0x18740;
	[sflag:s30] =	ssyncset.done $0x0  }
0x2a: {  	s7 =	simm.s32 $0x1A740;
	s11 =	simm.s32 $0x0;
	[sflag:s30] =	ssyncadd.s32 $0xFFFFF000  }
.LBB2_4:
0x2b: {  	v0 =	vld [tilespmem:s10+$0x30]  }
0x2c: {  	v1 =	vld [tilespmem:s10+$0xFFFFFFD0]  }
0x2d: {  	v2 =	vld [tilespmem:s10+$0xFFFFFFE0]  }
0x2e: {  	v3 =	vld [tilespmem:s10+$0xFFFFFFF0]  }
0x2f: {  	v6 =	vld [tilespmem:s10+$0x0]  }
0x30: {  	v7 =	vld [tilespmem:s10+$0x10]  }
0x31: {  	v8 =	vld [tilespmem:s10+$0x20]  }
0x32: {  	v9 =	vld [tilespmem:s10+$0xFFFFFFC0]  }
0x33: {  	v10 =	vld.idx.msk [tilespmem:v0+s4+$0x0], $0xffff  }
0x34: {  	v11 =	vld.idx.msk [tilespmem:v1+s4+$0x0], $0xffff  }
0x35: {  	v5 =	vld.idx.msk [tilespmem:v2+s4+$0x0], $0xffff  }
0x36: {  	v4 =	vld.idx.msk [tilespmem:v3+s4+$0x0], $0xffff  }
0x37: {  	v3 =	vld.idx.msk [tilespmem:v6+s4+$0x0], $0xffff  }
0x38: {  	v1 =	vld.idx.msk [tilespmem:v7+s4+$0x0], $0xffff  }
0x39: {  	v0 =	vld.idx.msk [tilespmem:v8+s4+$0x0], $0xffff;
	[tilespmem:s7+$0x30] =	vst v10  }
0x3a: {  	s13 =	simm.s32 $0x0;
	s14 =	sadd.s32 $0x400, s10;
	s12 =	smov.u32 s7;
	v2 =	vld.idx.msk [tilespmem:v9+s4+$0x0], $0xffff;
	[tilespmem:s7+$0xFFFFFFD0] =	vst v11  }
.LBB2_5:
0x3b: {  	v6 =	vld [tilespmem:s14+$0x30];
	s13 =	sadd.s32 $0x80, s13;
	[tilespmem:s12+$0xFFFFFFE0] =	vst v5  }
0x3c: {  	v5 =	vld [tilespmem:s14+$0xFFFFFFD0];
	p1 =	slt.u32 s13, $0x180;
	[tilespmem:s12+$0xFFFFFFF0] =	vst v4  }
0x3d: {  	v4 =	vld [tilespmem:s14+$0xFFFFFFE0];
	[tilespmem:s12+$0x0] =	vst v3  }
0x3e: {  	v3 =	vld [tilespmem:s14+$0xFFFFFFF0];
	[tilespmem:s12+$0x10] =	vst v1  }
0x3f: {  	v1 =	vld [tilespmem:s14+$0x0];
	[tilespmem:s12+$0x20] =	vst v0  }
0x40: {  	v0 =	vld [tilespmem:s14+$0x10];
	[tilespmem:s12+$0xFFFFFFC0] =	vst v2  }
0x41: {  	v2 =	vld [tilespmem:s14+$0x20]  }
0x42: {  	v7 =	vld [tilespmem:s14+$0xFFFFFFC0]  }
0x43: {  	v6 =	vld.idx.msk [tilespmem:v6+s4+$0x0], $0xffff  }
0x44: {  	v8 =	vld.idx.msk [tilespmem:v5+s4+$0x0], $0xffff  }
0x45: {  	v5 =	vld.idx.msk [tilespmem:v4+s4+$0x0], $0xffff  }
.Ltmp0:
0x46: {  	v4 =	vld.idx.msk [tilespmem:v3+s4+$0x0], $0xffff;
	(pc) =	sbr.rel @p1 .LBB2_5-.Ltmp0, $4  }
0x47: {  	v3 =	vld.idx.msk [tilespmem:v1+s4+$0x0], $0xffff  }
0x48: {  	s12 =	sadd.s32 $0x400, s12;
	v1 =	vld.idx.msk [tilespmem:v0+s4+$0x0], $0xffff  }
0x49: {  	v0 =	vld.idx.msk [tilespmem:v2+s4+$0x0], $0xffff;
	[tilespmem:s12+$0x30] =	vst v6  }
0x4a: {  	s14 =	sadd.s32 $0x400, s14;
	v2 =	vld.idx.msk [tilespmem:v7+s4+$0x0], $0xffff;
	[tilespmem:s12+$0xFFFFFFD0] =	vst v8  }
0x4b: {  	s11 =	sadd.s32 $0x1, s11  }
0x4c: {  	[tilespmem:s12+$0xFFFFFFE0] =	vst v5;
	p1 =	sne.s32 s11, $0x8  }
.Ltmp1:
0x4d: {  	[tilespmem:s12+$0xFFFFFFF0] =	vst v4;
	(pc) =	sbr.rel @p1 .LBB2_4-.Ltmp1, $4  }
0x4e: {  	[tilespmem:s12+$0x0] =	vst v3  }
0x4f: {  	[tilespmem:s12+$0x10] =	vst v1  }
0x50: {  	[tilespmem:s12+$0x20] =	vst v0  }
0x51: {  	s7 =	sadd.s32 $0x80, s7;
	s10 =	sadd.s32 $0x80, s10;
	[tilespmem:s12+$0xFFFFFFC0] =	vst v2  }
0x52: {  	s7 =	sshll.u32 s23, $0x17  }
0x53: {  	s7 =	sor.u32 s17, s7  }
0x54: {  	s20 =	sshrl.u32 s7, $0x3  }
0x55: {  	s10 =	sadd.s32 s3, s20  }
0x56: {  	[hbm4b:s10+s24] =	stream.strided.scatter [tilespmem:s0], [sflag:$0x3], $0x400, s31, s24, $0x38;
	[tilespmem:$0x1C700] =	vst v63  }
0x57: {  	s11 =	sadd.s32 $0x80, s10  }
0x58: {  	[hbm4b:s11+s24] =	stream.strided.scatter [tilespmem:s5], [sflag:$0x3], $0x400, s31, s24, $0x38;
	[tilespmem:$0x1C700] =	vst v63  }
0x59: {  	s17 =	sadd.s32 $0x100, s10  }
0x5a: {  	[hbm4b:s17+s24] =	stream.strided.scatter [tilespmem:s22], [sflag:$0x3], $0x400, s31, s24, $0x38;
	[tilespmem:$0x1C700] =	vst v63  }
0x5b: {  	s26 =	rddreg [dreg:$0x7];
	s10 =	sadd.s32 $0x180, s10  }
0x5c: {  	[hbm4b:s10+s24] =	stream.strided.scatter [tilespmem:s1], [sflag:$0x3], $0x400, s31, s24, $0x38;
	[tilespmem:$0x1C700] =	vst v63  }
0x5d: {  	s12 =	simm.s32 $0x18700;
	s28 =	sadd.s32 s9, s26;
	s10 =	simm.s32 $0x0  }
0x5e: {  	[tilespmem:s12], [sflag:$0x1] =	stream.linear.gather [hbm4b:s28+s10], $0x1000, $0x38;
	[tilespmem:$0x1C700] =	vst v63  }
0x5f: {  	_ =	swait.ge [sflag:s25], $0x1000  }
0x60: {  	[sflag:s25] =	ssyncset.done $0x0  }
0x61: {  	s11 =	simm.s32 $0x1B740;
	s12 =	simm.s32 $0x19740;
	[sflag:s25] =	ssyncadd.s32 $0xFFFFF000  }
.LBB2_8:
0x62: {  	v0 =	vld [tilespmem:s12+$0x30]  }
0x63: {  	v1 =	vld [tilespmem:s12+$0xFFFFFFD0]  }
0x64: {  	v2 =	vld [tilespmem:s12+$0xFFFFFFE0]  }
0x65: {  	v3 =	vld [tilespmem:s12+$0xFFFFFFF0]  }
0x66: {  	v6 =	vld [tilespmem:s12+$0x0]  }
0x67: {  	v7 =	vld [tilespmem:s12+$0x10]  }
0x68: {  	v8 =	vld [tilespmem:s12+$0x20]  }
0x69: {  	v9 =	vld [tilespmem:s12+$0xFFFFFFC0]  }
0x6a: {  	v10 =	vld.idx.msk [tilespmem:v0+s4+$0x0], $0xffff  }
0x6b: {  	v11 =	vld.idx.msk [tilespmem:v1+s4+$0x0], $0xffff  }
0x6c: {  	v5 =	vld.idx.msk [tilespmem:v2+s4+$0x0], $0xffff  }
0x6d: {  	v4 =	vld.idx.msk [tilespmem:v3+s4+$0x0], $0xffff  }
0x6e: {  	v3 =	vld.idx.msk [tilespmem:v6+s4+$0x0], $0xffff  }
0x6f: {  	v1 =	vld.idx.msk [tilespmem:v7+s4+$0x0], $0xffff  }
0x70: {  	v0 =	vld.idx.msk [tilespmem:v8+s4+$0x0], $0xffff;
	[tilespmem:s11+$0x30] =	vst v10  }
0x71: {  	s14 =	simm.s32 $0x0;
	s16 =	sadd.s32 $0x400, s12;
	s13 =	smov.u32 s11;
	v2 =	vld.idx.msk [tilespmem:v9+s4+$0x0], $0xffff;
	[tilespmem:s11+$0xFFFFFFD0] =	vst v11  }
.LBB2_9:
0x72: {  	v6 =	vld [tilespmem:s16+$0x30];
	s14 =	sadd.s32 $0x80, s14;
	[tilespmem:s13+$0xFFFFFFE0] =	vst v5  }
0x73: {  	v5 =	vld [tilespmem:s16+$0xFFFFFFD0];
	p1 =	slt.u32 s14, $0x180;
	[tilespmem:s13+$0xFFFFFFF0] =	vst v4  }
0x74: {  	v4 =	vld [tilespmem:s16+$0xFFFFFFE0];
	[tilespmem:s13+$0x0] =	vst v3  }
0x75: {  	v3 =	vld [tilespmem:s16+$0xFFFFFFF0];
	[tilespmem:s13+$0x10] =	vst v1  }
0x76: {  	v1 =	vld [tilespmem:s16+$0x0];
	[tilespmem:s13+$0x20] =	vst v0  }
0x77: {  	v0 =	vld [tilespmem:s16+$0x10];
	[tilespmem:s13+$0xFFFFFFC0] =	vst v2  }
0x78: {  	v2 =	vld [tilespmem:s16+$0x20]  }
0x79: {  	v7 =	vld [tilespmem:s16+$0xFFFFFFC0]  }
0x7a: {  	v6 =	vld.idx.msk [tilespmem:v6+s4+$0x0], $0xffff  }
0x7b: {  	v8 =	vld.idx.msk [tilespmem:v5+s4+$0x0], $0xffff  }
0x7c: {  	v5 =	vld.idx.msk [tilespmem:v4+s4+$0x0], $0xffff  }
.Ltmp2:
0x7d: {  	v4 =	vld.idx.msk [tilespmem:v3+s4+$0x0], $0xffff;
	(pc) =	sbr.rel @p1 .LBB2_9-.Ltmp2, $4  }
0x7e: {  	v3 =	vld.idx.msk [tilespmem:v1+s4+$0x0], $0xffff  }
0x7f: {  	s13 =	sadd.s32 $0x400, s13;
	v1 =	vld.idx.msk [tilespmem:v0+s4+$0x0], $0xffff  }
0x80: {  	v0 =	vld.idx.msk [tilespmem:v2+s4+$0x0], $0xffff;
	[tilespmem:s13+$0x30] =	vst v6  }
0x81: {  	s16 =	sadd.s32 $0x400, s16;
	v2 =	vld.idx.msk [tilespmem:v7+s4+$0x0], $0xffff;
	[tilespmem:s13+$0xFFFFFFD0] =	vst v8  }
0x82: {  	s10 =	sadd.s32 $0x1, s10  }
0x83: {  	[tilespmem:s13+$0xFFFFFFE0] =	vst v5;
	p1 =	sne.s32 s10, $0x8  }
.Ltmp3:
0x84: {  	[tilespmem:s13+$0xFFFFFFF0] =	vst v4;
	(pc) =	sbr.rel @p1 .LBB2_8-.Ltmp3, $4  }
0x85: {  	[tilespmem:s13+$0x0] =	vst v3  }
0x86: {  	[tilespmem:s13+$0x10] =	vst v1  }
0x87: {  	[tilespmem:s13+$0x20] =	vst v0  }
0x88: {  	s11 =	sadd.s32 $0x80, s11;
	s12 =	sadd.s32 $0x80, s12;
	[tilespmem:s13+$0xFFFFFFC0] =	vst v2  }
0x89: {  	s10 =	rddreg [dreg:$0x8]  }
0x8a: {  	s10 =	sadd.s32 s20, s10  }
0x8b: {  	[hbm4b:s10+s24] =	stream.strided.scatter [tilespmem:s6], [sflag:$0x4], $0x400, s31, s24, $0x38;
	[tilespmem:$0x1C700] =	vst v63  }
0x8c: {  	s11 =	sadd.s32 $0x80, s10  }
0x8d: {  	[hbm4b:s11+s24] =	stream.strided.scatter [tilespmem:s8], [sflag:$0x4], $0x400, s31, s24, $0x38;
	[tilespmem:$0x1C700] =	vst v63  }
0x8e: {  	[dreg:$0x19] =	wrdreg s20;
	s20 =	sadd.s32 $0x100, s10  }
0x8f: {  	[hbm4b:s20+s24] =	stream.strided.scatter [tilespmem:s15], [sflag:$0x4], $0x400, s31, s24, $0x38;
	[tilespmem:$0x1C700] =	vst v63  }
0x90: {  	s26 =	rddreg [dreg:$0x9];
	s10 =	sadd.s32 $0x180, s10  }
0x91: {  	[hbm4b:s10+s24] =	stream.strided.scatter [tilespmem:s18], [sflag:$0x4], $0x400, s31, s24, $0x38;
	[tilespmem:$0x1C700] =	vst v63  }
0x92: {  	s28 =	sshll.u32 s23, $0x11;
	s9 =	sadd.s32 s9, s26  }
0x93: {  	[tilespmem:s29], [sflag:$0x2] =	stream.linear.gather [hbm4b:s9+s4], $0x1000, $0x38;
	[tilespmem:$0x1C700] =	vst v63  }
0x94: {  	s11 =	simm.s32 $0x1;
	s10 =	sor.u32 $0x3000, s28;
	s9 =	sor.u32 $0x2000, s28  }
.LBB2_12:
0x95: {  	_ =	swait.ge [sflag:s19], $0x1000  }
0x96: {  	[sflag:s19] =	ssyncset.done $0x0  }
0x97: {  	[sflag:s19] =	ssyncadd.s32 $0xFFFFF000  }
0x98: {  	_ =	swait.ge [sflag:s30], $0x1000  }
0x99: {  	s12 =	simm.s32 $0x0;
	[sflag:s30] =	ssyncset.done $0x0  }
0x9a: {  	s16 =	simm.s32 $0x1A740;
	s17 =	simm.s32 $0x18740;
	[sflag:s30] =	ssyncadd.s32 $0xFFFFF000  }
.LBB2_13:
0x9b: {  	v0 =	vld [tilespmem:s17+$0x30]  }
0x9c: {  	v1 =	vld [tilespmem:s17+$0xFFFFFFD0]  }
0x9d: {  	v2 =	vld [tilespmem:s17+$0xFFFFFFE0]  }
0x9e: {  	v3 =	vld [tilespmem:s17+$0xFFFFFFF0]  }
0x9f: {  	v6 =	vld [tilespmem:s17+$0x0]  }
0xa0: {  	v7 =	vld [tilespmem:s17+$0x10]  }
0xa1: {  	v8 =	vld [tilespmem:s17+$0x20]  }
0xa2: {  	v9 =	vld [tilespmem:s17+$0xFFFFFFC0]  }
0xa3: {  	v10 =	vld.idx.msk [tilespmem:v0+s4+$0x0], $0xffff  }
0xa4: {  	v11 =	vld.idx.msk [tilespmem:v1+s4+$0x0], $0xffff  }
0xa5: {  	v5 =	vld.idx.msk [tilespmem:v2+s4+$0x0], $0xffff  }
0xa6: {  	v4 =	vld.idx.msk [tilespmem:v3+s4+$0x0], $0xffff  }
0xa7: {  	v3 =	vld.idx.msk [tilespmem:v6+s4+$0x0], $0xffff  }
0xa8: {  	v1 =	vld.idx.msk [tilespmem:v7+s4+$0x0], $0xffff  }
0xa9: {  	v0 =	vld.idx.msk [tilespmem:v8+s4+$0x0], $0xffff;
	[tilespmem:s16+$0x30] =	vst v10  }
0xaa: {  	s14 =	simm.s32 $0x0;
	s20 =	sadd.s32 $0x400, s17;
	s13 =	smov.u32 s16;
	v2 =	vld.idx.msk [tilespmem:v9+s4+$0x0], $0xffff;
	[tilespmem:s16+$0xFFFFFFD0] =	vst v11  }
.LBB2_14:
0xab: {  	v6 =	vld [tilespmem:s20+$0x30];
	s14 =	sadd.s32 $0x80, s14;
	[tilespmem:s13+$0xFFFFFFE0] =	vst v5  }
0xac: {  	v5 =	vld [tilespmem:s20+$0xFFFFFFD0];
	p1 =	slt.u32 s14, $0x180;
	[tilespmem:s13+$0xFFFFFFF0] =	vst v4  }
0xad: {  	v4 =	vld [tilespmem:s20+$0xFFFFFFE0];
	[tilespmem:s13+$0x0] =	vst v3  }
0xae: {  	v3 =	vld [tilespmem:s20+$0xFFFFFFF0];
	[tilespmem:s13+$0x10] =	vst v1  }
0xaf: {  	v1 =	vld [tilespmem:s20+$0x0];
	[tilespmem:s13+$0x20] =	vst v0  }
0xb0: {  	v0 =	vld [tilespmem:s20+$0x10];
	[tilespmem:s13+$0xFFFFFFC0] =	vst v2  }
0xb1: {  	v2 =	vld [tilespmem:s20+$0x20]  }
0xb2: {  	v7 =	vld [tilespmem:s20+$0xFFFFFFC0]  }
0xb3: {  	v6 =	vld.idx.msk [tilespmem:v6+s4+$0x0], $0xffff  }
0xb4: {  	v8 =	vld.idx.msk [tilespmem:v5+s4+$0x0], $0xffff  }
0xb5: {  	v5 =	vld.idx.msk [tilespmem:v4+s4+$0x0], $0xffff  }
.Ltmp4:
0xb6: {  	v4 =	vld.idx.msk [tilespmem:v3+s4+$0x0], $0xffff;
	(pc) =	sbr.rel @p1 .LBB2_14-.Ltmp4, $4  }
0xb7: {  	v3 =	vld.idx.msk [tilespmem:v1+s4+$0x0], $0xffff  }
0xb8: {  	s13 =	sadd.s32 $0x400, s13;
	v1 =	vld.idx.msk [tilespmem:v0+s4+$0x0], $0xffff  }
0xb9: {  	v0 =	vld.idx.msk [tilespmem:v2+s4+$0x0], $0xffff;
	[tilespmem:s13+$0x30] =	vst v6  }
0xba: {  	s20 =	sadd.s32 $0x400, s20;
	v2 =	vld.idx.msk [tilespmem:v7+s4+$0x0], $0xffff;
	[tilespmem:s13+$0xFFFFFFD0] =	vst v8  }
0xbb: {  	s12 =	sadd.s32 $0x1, s12  }
0xbc: {  	[tilespmem:s13+$0xFFFFFFE0] =	vst v5;
	p1 =	sne.s32 s12, $0x8  }
.Ltmp5:
0xbd: {  	[tilespmem:s13+$0xFFFFFFF0] =	vst v4;
	(pc) =	sbr.rel @p1 .LBB2_13-.Ltmp5, $4  }
0xbe: {  	[tilespmem:s13+$0x0] =	vst v3  }
0xbf: {  	[tilespmem:s13+$0x10] =	vst v1  }
0xc0: {  	[tilespmem:s13+$0x20] =	vst v0  }
0xc1: {  	s16 =	sadd.s32 $0x80, s16;
	s17 =	sadd.s32 $0x80, s17;
	[tilespmem:s13+$0xFFFFFFC0] =	vst v2  }
0xc2: {  	s12 =	sshll.u32 s11, $0xD  }
0xc3: {  	s13 =	sor.u32 s12, s7  }
0xc4: {  	s17 =	sshrl.u32 s13, $0x3  }
0xc5: {  	s13 =	sadd.s32 s3, s17  }
0xc6: {  	[hbm4b:s13+s24] =	stream.strided.scatter [tilespmem:s0], [sflag:$0x3], $0x400, s31, s24, $0x38;
	[tilespmem:$0x1C700] =	vst v63  }
0xc7: {  	s14 =	sadd.s32 $0x80, s13  }
0xc8: {  	[hbm4b:s14+s24] =	stream.strided.scatter [tilespmem:s5], [sflag:$0x3], $0x400, s31, s24, $0x38;
	[tilespmem:$0x1C700] =	vst v63  }
0xc9: {  	s20 =	sadd.s32 $0x100, s13  }
0xca: {  	[hbm4b:s20+s24] =	stream.strided.scatter [tilespmem:s22], [sflag:$0x3], $0x400, s31, s24, $0x38;
	[tilespmem:$0x1C700] =	vst v63  }
0xcb: {  	s26 =	sadd.s32 s12, s9;
	s13 =	sadd.s32 $0x180, s13  }
0xcc: {  	[hbm4b:s13+s24] =	stream.strided.scatter [tilespmem:s1], [sflag:$0x3], $0x400, s31, s24, $0x38;
	[tilespmem:$0x1C700] =	vst v63  }
0xcd: {  	s13 =	sshrl.u32 s26, $0x3  }
0xce: {  	s16 =	simm.s32 $0x0;
	s28 =	simm.s32 $0x18700;
	s13 =	sadd.s32 s2, s13  }
0xcf: {  	[tilespmem:s28], [sflag:$0x1] =	stream.linear.gather [hbm4b:s13+s16], $0x1000, $0x38;
	[tilespmem:$0x1C700] =	vst v63  }
0xd0: {  	_ =	swait.ge [sflag:s21], $0x1000  }
0xd1: {  	[sflag:s21] =	ssyncset.done $0x0  }
0xd2: {  	[sflag:s21] =	ssyncadd.s32 $0xFFFFF000  }
0xd3: {  	_ =	swait.ge [sflag:s25], $0x1000  }
0xd4: {  	[sflag:s25] =	ssyncset.done $0x0  }
0xd5: {  	s14 =	simm.s32 $0x1B740;
	s13 =	simm.s32 $0x19740;
	[sflag:s25] =	ssyncadd.s32 $0xFFFFF000  }
.LBB2_17:
0xd6: {  	v0 =	vld [tilespmem:s13+$0x30]  }
0xd7: {  	v1 =	vld [tilespmem:s13+$0xFFFFFFD0]  }
0xd8: {  	v2 =	vld [tilespmem:s13+$0xFFFFFFE0]  }
0xd9: {  	v3 =	vld [tilespmem:s13+$0xFFFFFFF0]  }
0xda: {  	v6 =	vld [tilespmem:s13+$0x0]  }
0xdb: {  	v7 =	vld [tilespmem:s13+$0x10]  }
0xdc: {  	v8 =	vld [tilespmem:s13+$0x20]  }
0xdd: {  	v9 =	vld [tilespmem:s13+$0xFFFFFFC0]  }
0xde: {  	v10 =	vld.idx.msk [tilespmem:v0+s4+$0x0], $0xffff  }
0xdf: {  	v11 =	vld.idx.msk [tilespmem:v1+s4+$0x0], $0xffff  }
0xe0: {  	v5 =	vld.idx.msk [tilespmem:v2+s4+$0x0], $0xffff  }
0xe1: {  	v4 =	vld.idx.msk [tilespmem:v3+s4+$0x0], $0xffff  }
0xe2: {  	v3 =	vld.idx.msk [tilespmem:v6+s4+$0x0], $0xffff  }
0xe3: {  	v1 =	vld.idx.msk [tilespmem:v7+s4+$0x0], $0xffff  }
0xe4: {  	v0 =	vld.idx.msk [tilespmem:v8+s4+$0x0], $0xffff;
	[tilespmem:s14+$0x30] =	vst v10  }
0xe5: {  	s26 =	simm.s32 $0x0;
	s28 =	sadd.s32 $0x400, s13;
	s20 =	smov.u32 s14;
	v2 =	vld.idx.msk [tilespmem:v9+s4+$0x0], $0xffff;
	[tilespmem:s14+$0xFFFFFFD0] =	vst v11  }
.LBB2_18:
0xe6: {  	v6 =	vld [tilespmem:s28+$0x30];
	s26 =	sadd.s32 $0x80, s26;
	[tilespmem:s20+$0xFFFFFFE0] =	vst v5  }
0xe7: {  	v5 =	vld [tilespmem:s28+$0xFFFFFFD0];
	p1 =	slt.u32 s26, $0x180;
	[tilespmem:s20+$0xFFFFFFF0] =	vst v4  }
0xe8: {  	v4 =	vld [tilespmem:s28+$0xFFFFFFE0];
	[tilespmem:s20+$0x0] =	vst v3  }
0xe9: {  	v3 =	vld [tilespmem:s28+$0xFFFFFFF0];
	[tilespmem:s20+$0x10] =	vst v1  }
0xea: {  	v1 =	vld [tilespmem:s28+$0x0];
	[tilespmem:s20+$0x20] =	vst v0  }
0xeb: {  	v0 =	vld [tilespmem:s28+$0x10];
	[tilespmem:s20+$0xFFFFFFC0] =	vst v2  }
0xec: {  	v2 =	vld [tilespmem:s28+$0x20]  }
0xed: {  	v7 =	vld [tilespmem:s28+$0xFFFFFFC0]  }
0xee: {  	v6 =	vld.idx.msk [tilespmem:v6+s4+$0x0], $0xffff  }
0xef: {  	v8 =	vld.idx.msk [tilespmem:v5+s4+$0x0], $0xffff  }
0xf0: {  	v5 =	vld.idx.msk [tilespmem:v4+s4+$0x0], $0xffff  }
.Ltmp6:
0xf1: {  	v4 =	vld.idx.msk [tilespmem:v3+s4+$0x0], $0xffff;
	(pc) =	sbr.rel @p1 .LBB2_18-.Ltmp6, $4  }
0xf2: {  	v3 =	vld.idx.msk [tilespmem:v1+s4+$0x0], $0xffff  }
0xf3: {  	s20 =	sadd.s32 $0x400, s20;
	v1 =	vld.idx.msk [tilespmem:v0+s4+$0x0], $0xffff  }
0xf4: {  	v0 =	vld.idx.msk [tilespmem:v2+s4+$0x0], $0xffff;
	[tilespmem:s20+$0x30] =	vst v6  }
0xf5: {  	s28 =	sadd.s32 $0x400, s28;
	v2 =	vld.idx.msk [tilespmem:v7+s4+$0x0], $0xffff;
	[tilespmem:s20+$0xFFFFFFD0] =	vst v8  }
0xf6: {  	s16 =	sadd.s32 $0x1, s16  }
0xf7: {  	[tilespmem:s20+$0xFFFFFFE0] =	vst v5;
	p1 =	sne.s32 s16, $0x8  }
.Ltmp7:
0xf8: {  	[tilespmem:s20+$0xFFFFFFF0] =	vst v4;
	(pc) =	sbr.rel @p1 .LBB2_17-.Ltmp7, $4  }
0xf9: {  	[tilespmem:s20+$0x0] =	vst v3  }
0xfa: {  	[tilespmem:s20+$0x10] =	vst v1  }
0xfb: {  	[tilespmem:s20+$0x20] =	vst v0  }
0xfc: {  	s14 =	sadd.s32 $0x80, s14;
	s13 =	sadd.s32 $0x80, s13;
	[tilespmem:s20+$0xFFFFFFC0] =	vst v2  }
0xfd: {  	s13 =	sadd.s32 s17, s3  }
0xfe: {  	s14 =	sadd.s32 $0x200, s13  }
0xff: {  	[hbm4b:s14+s24] =	stream.strided.scatter [tilespmem:s6], [sflag:$0x4], $0x400, s31, s24, $0x38;
	[tilespmem:$0x1C700] =	vst v63  }
0x100: {  	s11 =	sadd.s32 $0x1, s11;
	s26 =	sadd.s32 $0x280, s13  }
0x101: {  	[hbm4b:s26+s24] =	stream.strided.scatter [tilespmem:s8], [sflag:$0x4], $0x400, s31, s24, $0x38;
	[tilespmem:$0x1C700] =	vst v63  }
0x102: {  	s28 =	sadd.s32 $0x300, s13;
	p1 =	sne.s32 s11, $0xF  }
0x103: {  	[hbm4b:s28+s24] =	stream.strided.scatter [tilespmem:s15], [sflag:$0x4], $0x400, s31, s24, $0x38;
	[tilespmem:$0x1C700] =	vst v63  }
.Ltmp8:
0x104: {  	s12 =	sadd.s32 s12, s10;
	(pc) =	sbr.rel @p1 .LBB2_12-.Ltmp8, $4  }
0x105: {  	s13 =	sadd.s32 $0x380, s13;
	s12 =	sshrl.u32 s12, $0x3  }
0x106: {  	[hbm4b:s13+s24] =	stream.strided.scatter [tilespmem:s18], [sflag:$0x4], $0x400, s31, s24, $0x38;
	[tilespmem:$0x1C700] =	vst v63  }
0x107: {  	s12 =	sadd.s32 s2, s12  }
0x108: {  	[tilespmem:s29], [sflag:$0x2] =	stream.linear.gather [hbm4b:s12+s4], $0x1000, $0x38;
	[tilespmem:$0x1C700] =	vst v63  }
0x109: {  	_ =	swait.ge [sflag:s19], $0x1000  }
0x10a: {  	[sflag:s19] =	ssyncset.done $0x0  }
0x10b: {  	[sflag:s19] =	ssyncadd.s32 $0xFFFFF000  }
0x10c: {  	_ =	swait.ge [sflag:s30], $0x1000  }
0x10d: {  	s7 =	simm.s32 $0x0;
	s9 =	simm.s32 $0x1A740;
	[sflag:s30] =	ssyncset.done $0x0  }
0x10e: {  	s10 =	simm.s32 $0x18740;
	s14 =	rddreg [dreg:$0x19];
	[sflag:s30] =	ssyncadd.s32 $0xFFFFF000  }
.LBB2_22:
0x10f: {  	v0 =	vld [tilespmem:s10+$0x30]  }
0x110: {  	v1 =	vld [tilespmem:s10+$0xFFFFFFD0]  }
0x111: {  	v2 =	vld [tilespmem:s10+$0xFFFFFFE0]  }
0x112: {  	v3 =	vld [tilespmem:s10+$0xFFFFFFF0]  }
0x113: {  	v6 =	vld [tilespmem:s10+$0x0]  }
0x114: {  	v7 =	vld [tilespmem:s10+$0x10]  }
0x115: {  	v8 =	vld [tilespmem:s10+$0x20]  }
0x116: {  	v9 =	vld [tilespmem:s10+$0xFFFFFFC0]  }
0x117: {  	v10 =	vld.idx.msk [tilespmem:v0+s4+$0x0], $0xffff  }
0x118: {  	v11 =	vld.idx.msk [tilespmem:v1+s4+$0x0], $0xffff  }
0x119: {  	v5 =	vld.idx.msk [tilespmem:v2+s4+$0x0], $0xffff  }
0x11a: {  	v4 =	vld.idx.msk [tilespmem:v3+s4+$0x0], $0xffff  }
0x11b: {  	v3 =	vld.idx.msk [tilespmem:v6+s4+$0x0], $0xffff  }
0x11c: {  	v1 =	vld.idx.msk [tilespmem:v7+s4+$0x0], $0xffff  }
0x11d: {  	v0 =	vld.idx.msk [tilespmem:v8+s4+$0x0], $0xffff;
	[tilespmem:s9+$0x30] =	vst v10  }
0x11e: {  	s12 =	simm.s32 $0x0;
	s13 =	sadd.s32 $0x400, s10;
	s11 =	smov.u32 s9;
	v2 =	vld.idx.msk [tilespmem:v9+s4+$0x0], $0xffff;
	[tilespmem:s9+$0xFFFFFFD0] =	vst v11  }
.LBB2_23:
0x11f: {  	v6 =	vld [tilespmem:s13+$0x30];
	s12 =	sadd.s32 $0x80, s12;
	[tilespmem:s11+$0xFFFFFFE0] =	vst v5  }
0x120: {  	v5 =	vld [tilespmem:s13+$0xFFFFFFD0];
	p1 =	slt.u32 s12, $0x180;
	[tilespmem:s11+$0xFFFFFFF0] =	vst v4  }
0x121: {  	v4 =	vld [tilespmem:s13+$0xFFFFFFE0];
	[tilespmem:s11+$0x0] =	vst v3  }
0x122: {  	v3 =	vld [tilespmem:s13+$0xFFFFFFF0];
	[tilespmem:s11+$0x10] =	vst v1  }
0x123: {  	v1 =	vld [tilespmem:s13+$0x0];
	[tilespmem:s11+$0x20] =	vst v0  }
0x124: {  	v0 =	vld [tilespmem:s13+$0x10];
	[tilespmem:s11+$0xFFFFFFC0] =	vst v2  }
0x125: {  	v2 =	vld [tilespmem:s13+$0x20]  }
0x126: {  	v7 =	vld [tilespmem:s13+$0xFFFFFFC0]  }
0x127: {  	v6 =	vld.idx.msk [tilespmem:v6+s4+$0x0], $0xffff  }
0x128: {  	v8 =	vld.idx.msk [tilespmem:v5+s4+$0x0], $0xffff  }
0x129: {  	v5 =	vld.idx.msk [tilespmem:v4+s4+$0x0], $0xffff  }
.Ltmp9:
0x12a: {  	v4 =	vld.idx.msk [tilespmem:v3+s4+$0x0], $0xffff;
	(pc) =	sbr.rel @p1 .LBB2_23-.Ltmp9, $4  }
0x12b: {  	v3 =	vld.idx.msk [tilespmem:v1+s4+$0x0], $0xffff  }
0x12c: {  	s11 =	sadd.s32 $0x400, s11;
	v1 =	vld.idx.msk [tilespmem:v0+s4+$0x0], $0xffff  }
0x12d: {  	v0 =	vld.idx.msk [tilespmem:v2+s4+$0x0], $0xffff;
	[tilespmem:s11+$0x30] =	vst v6  }
0x12e: {  	s13 =	sadd.s32 $0x400, s13;
	v2 =	vld.idx.msk [tilespmem:v7+s4+$0x0], $0xffff;
	[tilespmem:s11+$0xFFFFFFD0] =	vst v8  }
0x12f: {  	s7 =	sadd.s32 $0x1, s7  }
0x130: {  	[tilespmem:s11+$0xFFFFFFE0] =	vst v5;
	p1 =	sne.s32 s7, $0x8  }
.Ltmp10:
0x131: {  	[tilespmem:s11+$0xFFFFFFF0] =	vst v4;
	(pc) =	sbr.rel @p1 .LBB2_22-.Ltmp10, $4  }
0x132: {  	[tilespmem:s11+$0x0] =	vst v3  }
0x133: {  	[tilespmem:s11+$0x10] =	vst v1  }
0x134: {  	[tilespmem:s11+$0x20] =	vst v0  }
0x135: {  	s9 =	sadd.s32 $0x80, s9;
	s10 =	sadd.s32 $0x80, s10;
	[tilespmem:s11+$0xFFFFFFC0] =	vst v2  }
0x136: {  	s7 =	rddreg [dreg:$0xf]  }
0x137: {  	s7 =	sadd.s32 s14, s7  }
0x138: {  	[hbm4b:s7+s24] =	stream.strided.scatter [tilespmem:s0], [sflag:$0x3], $0x400, s31, s24, $0x38;
	[tilespmem:$0x1C700] =	vst v63  }
0x139: {  	s9 =	sadd.s32 $0x80, s7  }
0x13a: {  	[hbm4b:s9+s24] =	stream.strided.scatter [tilespmem:s5], [sflag:$0x3], $0x400, s31, s24, $0x38;
	[tilespmem:$0x1C700] =	vst v63  }
0x13b: {  	s28 =	sadd.s32 $0x100, s7  }
0x13c: {  	[hbm4b:s28+s24] =	stream.strided.scatter [tilespmem:s22], [sflag:$0x3], $0x400, s31, s24, $0x38;
	[tilespmem:$0x1C700] =	vst v63  }
0x13d: {  	s7 =	sadd.s32 $0x180, s7  }
0x13e: {  	[hbm4b:s7+s24] =	stream.strided.scatter [tilespmem:s1], [sflag:$0x3], $0x400, s31, s24, $0x38;
	[tilespmem:$0x1C700] =	vst v63  }
0x13f: {  	_ =	swait.ge [sflag:s21], $0x1000  }
0x140: {  	[sflag:s21] =	ssyncset.done $0x0  }
0x141: {  	[sflag:s21] =	ssyncadd.s32 $0xFFFFF000  }
0x142: {  	_ =	swait.ge [sflag:s25], $0x1000  }
0x143: {  	s10 =	simm.s32 $0x19740;
	s9 =	simm.s32 $0x1B740;
	[sflag:s25] =	ssyncset.done $0x0  }
0x144: {  	s7 =	simm.s32 $0x0;
	s17 =	rddreg [dreg:$0x17];
	[sflag:s25] =	ssyncadd.s32 $0xFFFFF000  }
.LBB2_26:
0x145: {  	v0 =	vld [tilespmem:s10+$0x30]  }
0x146: {  	v1 =	vld [tilespmem:s10+$0xFFFFFFD0]  }
0x147: {  	v2 =	vld [tilespmem:s10+$0xFFFFFFE0]  }
0x148: {  	v3 =	vld [tilespmem:s10+$0xFFFFFFF0]  }
0x149: {  	v6 =	vld [tilespmem:s10+$0x0]  }
0x14a: {  	v7 =	vld [tilespmem:s10+$0x10]  }
0x14b: {  	v8 =	vld [tilespmem:s10+$0x20]  }
0x14c: {  	v9 =	vld [tilespmem:s10+$0xFFFFFFC0]  }
0x14d: {  	v10 =	vld.idx.msk [tilespmem:v0+s4+$0x0], $0xffff  }
0x14e: {  	v11 =	vld.idx.msk [tilespmem:v1+s4+$0x0], $0xffff  }
0x14f: {  	v5 =	vld.idx.msk [tilespmem:v2+s4+$0x0], $0xffff  }
0x150: {  	v4 =	vld.idx.msk [tilespmem:v3+s4+$0x0], $0xffff  }
0x151: {  	v3 =	vld.idx.msk [tilespmem:v6+s4+$0x0], $0xffff  }
0x152: {  	v1 =	vld.idx.msk [tilespmem:v7+s4+$0x0], $0xffff  }
0x153: {  	v0 =	vld.idx.msk [tilespmem:v8+s4+$0x0], $0xffff;
	[tilespmem:s9+$0x30] =	vst v10  }
0x154: {  	s12 =	simm.s32 $0x0;
	s13 =	sadd.s32 $0x400, s10;
	s11 =	smov.u32 s9;
	v2 =	vld.idx.msk [tilespmem:v9+s4+$0x0], $0xffff;
	[tilespmem:s9+$0xFFFFFFD0] =	vst v11  }
.LBB2_27:
0x155: {  	v6 =	vld [tilespmem:s13+$0x30];
	s12 =	sadd.s32 $0x80, s12;
	[tilespmem:s11+$0xFFFFFFE0] =	vst v5  }
0x156: {  	v5 =	vld [tilespmem:s13+$0xFFFFFFD0];
	p1 =	slt.u32 s12, $0x180;
	[tilespmem:s11+$0xFFFFFFF0] =	vst v4  }
0x157: {  	v4 =	vld [tilespmem:s13+$0xFFFFFFE0];
	[tilespmem:s11+$0x0] =	vst v3  }
0x158: {  	v3 =	vld [tilespmem:s13+$0xFFFFFFF0];
	[tilespmem:s11+$0x10] =	vst v1  }
0x159: {  	v1 =	vld [tilespmem:s13+$0x0];
	[tilespmem:s11+$0x20] =	vst v0  }
0x15a: {  	v0 =	vld [tilespmem:s13+$0x10];
	[tilespmem:s11+$0xFFFFFFC0] =	vst v2  }
0x15b: {  	v2 =	vld [tilespmem:s13+$0x20]  }
0x15c: {  	v7 =	vld [tilespmem:s13+$0xFFFFFFC0]  }
0x15d: {  	v6 =	vld.idx.msk [tilespmem:v6+s4+$0x0], $0xffff  }
0x15e: {  	v8 =	vld.idx.msk [tilespmem:v5+s4+$0x0], $0xffff  }
0x15f: {  	v5 =	vld.idx.msk [tilespmem:v4+s4+$0x0], $0xffff  }
.Ltmp11:
0x160: {  	v4 =	vld.idx.msk [tilespmem:v3+s4+$0x0], $0xffff;
	(pc) =	sbr.rel @p1 .LBB2_27-.Ltmp11, $4  }
0x161: {  	v3 =	vld.idx.msk [tilespmem:v1+s4+$0x0], $0xffff  }
0x162: {  	s11 =	sadd.s32 $0x400, s11;
	v1 =	vld.idx.msk [tilespmem:v0+s4+$0x0], $0xffff  }
0x163: {  	v0 =	vld.idx.msk [tilespmem:v2+s4+$0x0], $0xffff;
	[tilespmem:s11+$0x30] =	vst v6  }
0x164: {  	s13 =	sadd.s32 $0x400, s13;
	v2 =	vld.idx.msk [tilespmem:v7+s4+$0x0], $0xffff;
	[tilespmem:s11+$0xFFFFFFD0] =	vst v8  }
0x165: {  	s7 =	sadd.s32 $0x1, s7  }
0x166: {  	[tilespmem:s11+$0xFFFFFFE0] =	vst v5;
	p1 =	sne.s32 s7, $0x8  }
.Ltmp12:
0x167: {  	[tilespmem:s11+$0xFFFFFFF0] =	vst v4;
	(pc) =	sbr.rel @p1 .LBB2_26-.Ltmp12, $4  }
0x168: {  	[tilespmem:s11+$0x0] =	vst v3  }
0x169: {  	[tilespmem:s11+$0x10] =	vst v1  }
0x16a: {  	[tilespmem:s11+$0x20] =	vst v0  }
0x16b: {  	s9 =	sadd.s32 $0x80, s9;
	s10 =	sadd.s32 $0x80, s10;
	[tilespmem:s11+$0xFFFFFFC0] =	vst v2  }
0x16c: {  	s7 =	rddreg [dreg:$0xa]  }
0x16d: {  	s7 =	sadd.s32 s14, s7  }
0x16e: {  	[hbm4b:s7+s24] =	stream.strided.scatter [tilespmem:s6], [sflag:$0x4], $0x400, s31, s24, $0x38;
	[tilespmem:$0x1C700] =	vst v63  }
0x16f: {  	s9 =	sadd.s32 $0x80, s7  }
0x170: {  	[hbm4b:s9+s24] =	stream.strided.scatter [tilespmem:s8], [sflag:$0x4], $0x400, s31, s24, $0x38;
	[tilespmem:$0x1C700] =	vst v63  }
0x171: {  	s28 =	sadd.s32 $0x100, s7  }
0x172: {  	[hbm4b:s28+s24] =	stream.strided.scatter [tilespmem:s15], [sflag:$0x4], $0x400, s31, s24, $0x38;
	[tilespmem:$0x1C700] =	vst v63  }
0x173: {  	s23 =	sadd.s32 $0x1, s23;
	s7 =	sadd.s32 $0x180, s7  }
0x174: {  	[hbm4b:s7+s24] =	stream.strided.scatter [tilespmem:s18], [sflag:$0x4], $0x400, s31, s24, $0x38;
	[tilespmem:$0x1C700] =	vst v63  }
0x175: {  	p1 =	sne.s32 s23, $0x6;
	_ =	swait.ge [sflag:s19], $0x1000  }
.Ltmp13:
0x176: {  	[sflag:s19] =	ssyncset.done $0x0;
	(pc) =	sbr.rel @p1 .LBB2_3-.Ltmp13, $4  }
0x177: {  	[sflag:s19] =	ssyncadd.s32 $0xFFFFF000  }
0x178: {  	_ =	swait.ge [sflag:s21], $0x1000  }
0x179: {  	[sflag:s21] =	ssyncset.done $0x0  }
0x17a: {  	[sflag:s21] =	ssyncadd.s32 $0xFFFFF000  }
0x17b: {  	s9 =	rddreg [dreg:$0xb];
	s7 =	simm.s32 $0x18700  }
0x17c: {  	[tilespmem:s7], [sflag:$0x1] =	stream.linear.gather [hbm4b:s9+s4], $0x100, $0x38;
	[tilespmem:$0x1C700] =	vst v63  }
0x17d: {  	s10 =	simm.s32 $0x18B00;
	s23 =	sadd.s32 $0x80, s9  }
0x17e: {  	[tilespmem:s10], [sflag:$0x1] =	stream.linear.gather [hbm4b:s23+s4], $0x100, $0x38;
	[tilespmem:$0x1C700] =	vst v63  }
0x17f: {  	s28 =	simm.s32 $0x18F00;
	s26 =	sadd.s32 $0x100, s9  }
0x180: {  	[tilespmem:s28], [sflag:$0x1] =	stream.linear.gather [hbm4b:s26+s4], $0x100, $0x38;
	[tilespmem:$0x1C700] =	vst v63  }
0x181: {  	s11 =	simm.s32 $0x19300;
	s10 =	sadd.s32 $0x180, s9  }
0x182: {  	[tilespmem:s11], [sflag:$0x1] =	stream.linear.gather [hbm4b:s10+s4], $0x100, $0x38;
	[tilespmem:$0x1C700] =	vst v63  }
0x183: {  	s12 =	rddreg [dreg:$0xc]  }
0x184: {  	[tilespmem:s29], [sflag:$0x2] =	stream.linear.gather [hbm4b:s12+s4], $0x100, $0x38;
	[tilespmem:$0x1C700] =	vst v63  }
0x185: {  	s14 =	simm.s32 $0x19B00;
	s13 =	sadd.s32 $0x80, s12  }
0x186: {  	[tilespmem:s14], [sflag:$0x2] =	stream.linear.gather [hbm4b:s13+s4], $0x100, $0x38;
	[tilespmem:$0x1C700] =	vst v63  }
0x187: {  	s20 =	simm.s32 $0x19F00;
	s16 =	sadd.s32 $0x100, s12  }
0x188: {  	[tilespmem:s20], [sflag:$0x2] =	stream.linear.gather [hbm4b:s16+s4], $0x100, $0x38;
	[tilespmem:$0x1C700] =	vst v63  }
0x189: {  	s23 =	sadd.s32 $0x180, s12;
	s26 =	simm.s32 $0x1A300  }
0x18a: {  	[tilespmem:s26], [sflag:$0x2] =	stream.linear.gather [hbm4b:s23+s4], $0x100, $0x38;
	[tilespmem:$0x1C700] =	vst v63  }
0x18b: {  	_ =	swait.ge [sflag:s30], $0x400  }
0x18c: {  	[sflag:s30] =	ssyncset.done $0x0  }
0x18d: {  	s28 =	simm.s32 $0x18740;
	[sflag:s30] =	ssyncadd.s32 $0xFFFFFC00  }
0x18e: {  	v0 =	vld [tilespmem:s28+$0x30]  }
0x18f: {  	v1 =	vld [tilespmem:s28+$0xFFFFFFD0]  }
0x190: {  	v2 =	vld [tilespmem:s28+$0xFFFFFFE0]  }
0x191: {  	v3 =	vld [tilespmem:s28+$0xFFFFFFF0]  }
0x192: {  	v6 =	vld [tilespmem:s28+$0x0]  }
0x193: {  	v7 =	vld [tilespmem:s28+$0x10]  }
0x194: {  	v8 =	vld [tilespmem:s28+$0x20]  }
0x195: {  	v9 =	vld [tilespmem:s28+$0xFFFFFFC0]  }
0x196: {  	v10 =	vld.idx.msk [tilespmem:v0+s4+$0x0], $0xffff  }
0x197: {  	v11 =	vld.idx.msk [tilespmem:v1+s4+$0x0], $0xffff  }
0x198: {  	v5 =	vld.idx.msk [tilespmem:v2+s4+$0x0], $0xffff  }
0x199: {  	v4 =	vld.idx.msk [tilespmem:v3+s4+$0x0], $0xffff  }
0x19a: {  	v2 =	vld.idx.msk [tilespmem:v6+s4+$0x0], $0xffff  }
0x19b: {  	s9 =	simm.s32 $0x1A740;
	v0 =	vld.idx.msk [tilespmem:v7+s4+$0x0], $0xffff  }
0x19c: {  	s7 =	simm.s32 $0x1A7F0;
	v1 =	vld.idx.msk [tilespmem:v8+s4+$0x0], $0xffff;
	[tilespmem:s9+$0x30] =	vst v10  }
0x19d: {  	s11 =	simm.s32 $0x0;
	s10 =	simm.s32 $0x187F0;
	s12 =	simm.s32 $0x18B40;
	v3 =	vld.idx.msk [tilespmem:v9+s4+$0x0], $0xffff;
	[tilespmem:s9+$0xFFFFFFD0] =	vst v11  }
.LBB2_31:
0x19e: {  	v6 =	vld [tilespmem:s12+$0x30];
	s11 =	sadd.s32 $0x80, s11;
	[tilespmem:s9+$0xFFFFFFE0] =	vst v5  }
0x19f: {  	v5 =	vld [tilespmem:s12+$0xFFFFFFD0];
	p1 =	slt.u32 s11, $0x180;
	[tilespmem:s9+$0xFFFFFFF0] =	vst v4  }
0x1a0: {  	v4 =	vld [tilespmem:s12+$0xFFFFFFE0];
	[tilespmem:s9+$0x0] =	vst v2  }
0x1a1: {  	v2 =	vld [tilespmem:s12+$0xFFFFFFF0];
	[tilespmem:s9+$0x10] =	vst v0  }
0x1a2: {  	v0 =	vld [tilespmem:s12+$0x0];
	[tilespmem:s9+$0x20] =	vst v1  }
0x1a3: {  	v1 =	vld [tilespmem:s12+$0x10];
	[tilespmem:s9+$0xFFFFFFC0] =	vst v3  }
0x1a4: {  	v3 =	vld [tilespmem:s12+$0x20]  }
0x1a5: {  	v7 =	vld [tilespmem:s12+$0xFFFFFFC0]  }
0x1a6: {  	v6 =	vld.idx.msk [tilespmem:v6+s4+$0x0], $0xffff  }
0x1a7: {  	v8 =	vld.idx.msk [tilespmem:v5+s4+$0x0], $0xffff  }
0x1a8: {  	v5 =	vld.idx.msk [tilespmem:v4+s4+$0x0], $0xffff  }
.Ltmp14:
0x1a9: {  	v4 =	vld.idx.msk [tilespmem:v2+s4+$0x0], $0xffff;
	(pc) =	sbr.rel @p1 .LBB2_31-.Ltmp14, $4  }
0x1aa: {  	v2 =	vld.idx.msk [tilespmem:v0+s4+$0x0], $0xffff  }
0x1ab: {  	s9 =	sadd.s32 $0x400, s9;
	v0 =	vld.idx.msk [tilespmem:v1+s4+$0x0], $0xffff  }
0x1ac: {  	v1 =	vld.idx.msk [tilespmem:v3+s4+$0x0], $0xffff;
	[tilespmem:s9+$0x30] =	vst v6  }
0x1ad: {  	s12 =	sadd.s32 $0x400, s12;
	v3 =	vld.idx.msk [tilespmem:v7+s4+$0x0], $0xffff;
	[tilespmem:s9+$0xFFFFFFD0] =	vst v8  }
0x1ae: {  	v6 =	vld [tilespmem:s10+$0x0]  }
0x1af: {  	[tilespmem:s9+$0xFFFFFFE0] =	vst v5;
	v5 =	vld [tilespmem:s10+$0xFFFFFFA0]  }
0x1b0: {  	[tilespmem:s9+$0xFFFFFFF0] =	vst v4;
	v4 =	vld [tilespmem:s10+$0xFFFFFFB0]  }
0x1b1: {  	[tilespmem:s9+$0x0] =	vst v2;
	v2 =	vld [tilespmem:s10+$0xFFFFFFC0]  }
0x1b2: {  	[tilespmem:s9+$0x10] =	vst v0;
	v0 =	vld [tilespmem:s10+$0xFFFFFFD0]  }
0x1b3: {  	[tilespmem:s9+$0x20] =	vst v1;
	v1 =	vld [tilespmem:s10+$0xFFFFFFE0]  }
0x1b4: {  	[tilespmem:s9+$0xFFFFFFC0] =	vst v3;
	v7 =	vld [tilespmem:s10+$0xFFFFFFF0]  }
0x1b5: {  	v8 =	vld [tilespmem:s10+$0xFFFFFF90]  }
0x1b6: {  	v6 =	vld.idx.msk [tilespmem:v6+s4+$0x0], $0xffff  }
0x1b7: {  	v9 =	vld.idx.msk [tilespmem:v5+s4+$0x0], $0xffff  }
0x1b8: {  	v5 =	vld.idx.msk [tilespmem:v4+s4+$0x0], $0xffff  }
0x1b9: {  	v4 =	vld.idx.msk [tilespmem:v2+s4+$0x0], $0xffff  }
0x1ba: {  	v3 =	vld.idx.msk [tilespmem:v0+s4+$0x0], $0xffff  }
0x1bb: {  	v1 =	vld.idx.msk [tilespmem:v1+s4+$0x0], $0xffff  }
0x1bc: {  	v0 =	vld.idx.msk [tilespmem:v7+s4+$0x0], $0xffff;
	[tilespmem:s7+$0x0] =	vst v6  }
0x1bd: {  	s9 =	simm.s32 $0x0;
	s10 =	simm.s32 $0x18BF0;
	v2 =	vld.idx.msk [tilespmem:v8+s4+$0x0], $0xffff;
	[tilespmem:s7+$0xFFFFFFA0] =	vst v9  }
.LBB2_33:
0x1be: {  	v6 =	vld [tilespmem:s10+$0x0];
	s9 =	sadd.s32 $0x80, s9;
	[tilespmem:s7+$0xFFFFFFB0] =	vst v5  }
0x1bf: {  	v5 =	vld [tilespmem:s10+$0xFFFFFFA0];
	p1 =	slt.u32 s9, $0x180;
	[tilespmem:s7+$0xFFFFFFC0] =	vst v4  }
0x1c0: {  	v4 =	vld [tilespmem:s10+$0xFFFFFFB0];
	[tilespmem:s7+$0xFFFFFFD0] =	vst v3  }
0x1c1: {  	v3 =	vld [tilespmem:s10+$0xFFFFFFC0];
	[tilespmem:s7+$0xFFFFFFE0] =	vst v1  }
0x1c2: {  	v1 =	vld [tilespmem:s10+$0xFFFFFFD0];
	[tilespmem:s7+$0xFFFFFFF0] =	vst v0  }
0x1c3: {  	v0 =	vld [tilespmem:s10+$0xFFFFFFE0];
	[tilespmem:s7+$0xFFFFFF90] =	vst v2  }
0x1c4: {  	v2 =	vld [tilespmem:s10+$0xFFFFFFF0]  }
0x1c5: {  	v7 =	vld [tilespmem:s10+$0xFFFFFF90]  }
0x1c6: {  	v6 =	vld.idx.msk [tilespmem:v6+s4+$0x0], $0xffff  }
0x1c7: {  	v8 =	vld.idx.msk [tilespmem:v5+s4+$0x0], $0xffff  }
0x1c8: {  	v5 =	vld.idx.msk [tilespmem:v4+s4+$0x0], $0xffff  }
.Ltmp15:
0x1c9: {  	v4 =	vld.idx.msk [tilespmem:v3+s4+$0x0], $0xffff;
	(pc) =	sbr.rel @p1 .LBB2_33-.Ltmp15, $4  }
0x1ca: {  	v3 =	vld.idx.msk [tilespmem:v1+s4+$0x0], $0xffff  }
0x1cb: {  	s7 =	sadd.s32 $0x400, s7;
	v1 =	vld.idx.msk [tilespmem:v0+s4+$0x0], $0xffff  }
0x1cc: {  	v0 =	vld.idx.msk [tilespmem:v2+s4+$0x0], $0xffff;
	[tilespmem:s7+$0x0] =	vst v6  }
0x1cd: {  	s10 =	sadd.s32 $0x400, s10;
	v2 =	vld.idx.msk [tilespmem:v7+s4+$0x0], $0xffff;
	[tilespmem:s7+$0xFFFFFFA0] =	vst v8  }
0x1ce: {  	[tilespmem:s7+$0xFFFFFFB0] =	vst v5  }
0x1cf: {  	[tilespmem:s7+$0xFFFFFFC0] =	vst v4  }
0x1d0: {  	[tilespmem:s7+$0xFFFFFFD0] =	vst v3  }
0x1d1: {  	[tilespmem:s7+$0xFFFFFFE0] =	vst v1  }
0x1d2: {  	s9 =	rddreg [dreg:$0xd]  }
0x1d3: {  	s10 =	rddreg [dreg:$0x18]  }
0x1d4: {  	s14 =	sor.u32 s9, s10  }
0x1d5: {  	[tilespmem:s7+$0xFFFFFFF0] =	vst v0;
	s9 =	sshrl.u32 s14, $0x3  }
0x1d6: {  	[tilespmem:s7+$0xFFFFFF90] =	vst v2;
	s23 =	sadd.s32 s3, s9  }
0x1d7: {  	[hbm4b:s23+s24] =	stream.strided.scatter [tilespmem:s0], [sflag:$0x3], $0x100, s31, s24, $0x38;
	[tilespmem:$0x1C700] =	vst v63  }
0x1d8: {  	s9 =	sadd.s32 $0x80, s23  }
0x1d9: {  	[hbm4b:s9+s24] =	stream.strided.scatter [tilespmem:s5], [sflag:$0x3], $0x100, s31, s24, $0x38;
	[tilespmem:$0x1C700] =	vst v63  }
0x1da: {  	s26 =	sadd.s32 $0x100, s23  }
0x1db: {  	[hbm4b:s26+s24] =	stream.strided.scatter [tilespmem:s22], [sflag:$0x3], $0x100, s31, s24, $0x38;
	[tilespmem:$0x1C700] =	vst v63  }
0x1dc: {  	s7 =	sadd.s32 $0x180, s23  }
0x1dd: {  	[hbm4b:s7+s24] =	stream.strided.scatter [tilespmem:s1], [sflag:$0x3], $0x100, s31, s24, $0x38;
	[tilespmem:$0x1C700] =	vst v63  }
0x1de: {  	s11 =	simm.s32 $0x18700;
	s28 =	rddreg [dreg:$0xe]  }
0x1df: {  	[tilespmem:s11], [sflag:$0x1] =	stream.linear.gather [hbm4b:s28+s4], $0x100, $0x38;
	[tilespmem:$0x1C700] =	vst v63  }
0x1e0: {  	s13 =	simm.s32 $0x18B00;
	s12 =	sadd.s32 $0x80, s28  }
0x1e1: {  	[tilespmem:s13], [sflag:$0x1] =	stream.linear.gather [hbm4b:s12+s4], $0x100, $0x38;
	[tilespmem:$0x1C700] =	vst v63  }
0x1e2: {  	s20 =	simm.s32 $0x18F00;
	s16 =	sadd.s32 $0x100, s28  }
0x1e3: {  	[tilespmem:s20], [sflag:$0x1] =	stream.linear.gather [hbm4b:s16+s4], $0x100, $0x38;
	[tilespmem:$0x1C700] =	vst v63  }
0x1e4: {  	s23 =	sadd.s32 $0x180, s28;
	s26 =	simm.s32 $0x19300  }
0x1e5: {  	[tilespmem:s26], [sflag:$0x1] =	stream.linear.gather [hbm4b:s23+s4], $0x100, $0x38;
	[tilespmem:$0x1C700] =	vst v63  }
0x1e6: {  	_ =	swait.ge [sflag:s25], $0x400  }
0x1e7: {  	[sflag:s25] =	ssyncset.done $0x0  }
0x1e8: {  	s28 =	simm.s32 $0x19740;
	[sflag:s25] =	ssyncadd.s32 $0xFFFFFC00  }
0x1e9: {  	v0 =	vld [tilespmem:s28+$0x30]  }
0x1ea: {  	v1 =	vld [tilespmem:s28+$0xFFFFFFD0]  }
0x1eb: {  	v2 =	vld [tilespmem:s28+$0xFFFFFFE0]  }
0x1ec: {  	v3 =	vld [tilespmem:s28+$0xFFFFFFF0]  }
0x1ed: {  	v6 =	vld [tilespmem:s28+$0x0]  }
0x1ee: {  	v7 =	vld [tilespmem:s28+$0x10]  }
0x1ef: {  	v8 =	vld [tilespmem:s28+$0x20]  }
0x1f0: {  	v9 =	vld [tilespmem:s28+$0xFFFFFFC0]  }
0x1f1: {  	v10 =	vld.idx.msk [tilespmem:v0+s4+$0x0], $0xffff  }
0x1f2: {  	v11 =	vld.idx.msk [tilespmem:v1+s4+$0x0], $0xffff  }
0x1f3: {  	v5 =	vld.idx.msk [tilespmem:v2+s4+$0x0], $0xffff  }
0x1f4: {  	v4 =	vld.idx.msk [tilespmem:v3+s4+$0x0], $0xffff  }
0x1f5: {  	v2 =	vld.idx.msk [tilespmem:v6+s4+$0x0], $0xffff  }
0x1f6: {  	s9 =	simm.s32 $0x1B740;
	v0 =	vld.idx.msk [tilespmem:v7+s4+$0x0], $0xffff  }
0x1f7: {  	s10 =	simm.s32 $0x197F0;
	v1 =	vld.idx.msk [tilespmem:v8+s4+$0x0], $0xffff;
	[tilespmem:s9+$0x30] =	vst v10  }
0x1f8: {  	s7 =	simm.s32 $0x1B7F0;
	s11 =	simm.s32 $0x0;
	s12 =	simm.s32 $0x19B40;
	v3 =	vld.idx.msk [tilespmem:v9+s4+$0x0], $0xffff;
	[tilespmem:s9+$0xFFFFFFD0] =	vst v11  }
.LBB2_35:
0x1f9: {  	v6 =	vld [tilespmem:s12+$0x30];
	s11 =	sadd.s32 $0x80, s11;
	[tilespmem:s9+$0xFFFFFFE0] =	vst v5  }
0x1fa: {  	v5 =	vld [tilespmem:s12+$0xFFFFFFD0];
	p1 =	slt.u32 s11, $0x180;
	[tilespmem:s9+$0xFFFFFFF0] =	vst v4  }
0x1fb: {  	v4 =	vld [tilespmem:s12+$0xFFFFFFE0];
	[tilespmem:s9+$0x0] =	vst v2  }
0x1fc: {  	v2 =	vld [tilespmem:s12+$0xFFFFFFF0];
	[tilespmem:s9+$0x10] =	vst v0  }
0x1fd: {  	v0 =	vld [tilespmem:s12+$0x0];
	[tilespmem:s9+$0x20] =	vst v1  }
0x1fe: {  	v1 =	vld [tilespmem:s12+$0x10];
	[tilespmem:s9+$0xFFFFFFC0] =	vst v3  }
0x1ff: {  	v3 =	vld [tilespmem:s12+$0x20]  }
0x200: {  	v7 =	vld [tilespmem:s12+$0xFFFFFFC0]  }
0x201: {  	v6 =	vld.idx.msk [tilespmem:v6+s4+$0x0], $0xffff  }
0x202: {  	v8 =	vld.idx.msk [tilespmem:v5+s4+$0x0], $0xffff  }
0x203: {  	v5 =	vld.idx.msk [tilespmem:v4+s4+$0x0], $0xffff  }
.Ltmp16:
0x204: {  	v4 =	vld.idx.msk [tilespmem:v2+s4+$0x0], $0xffff;
	(pc) =	sbr.rel @p1 .LBB2_35-.Ltmp16, $4  }
0x205: {  	v2 =	vld.idx.msk [tilespmem:v0+s4+$0x0], $0xffff  }
0x206: {  	s9 =	sadd.s32 $0x400, s9;
	v0 =	vld.idx.msk [tilespmem:v1+s4+$0x0], $0xffff  }
0x207: {  	v1 =	vld.idx.msk [tilespmem:v3+s4+$0x0], $0xffff;
	[tilespmem:s9+$0x30] =	vst v6  }
0x208: {  	s12 =	sadd.s32 $0x400, s12;
	v3 =	vld.idx.msk [tilespmem:v7+s4+$0x0], $0xffff;
	[tilespmem:s9+$0xFFFFFFD0] =	vst v8  }
0x209: {  	v6 =	vld [tilespmem:s10+$0x0]  }
0x20a: {  	[tilespmem:s9+$0xFFFFFFE0] =	vst v5;
	v5 =	vld [tilespmem:s10+$0xFFFFFFA0]  }
0x20b: {  	[tilespmem:s9+$0xFFFFFFF0] =	vst v4;
	v4 =	vld [tilespmem:s10+$0xFFFFFFB0]  }
0x20c: {  	[tilespmem:s9+$0x0] =	vst v2;
	v2 =	vld [tilespmem:s10+$0xFFFFFFC0]  }
0x20d: {  	[tilespmem:s9+$0x10] =	vst v0;
	v0 =	vld [tilespmem:s10+$0xFFFFFFD0]  }
0x20e: {  	[tilespmem:s9+$0x20] =	vst v1;
	v1 =	vld [tilespmem:s10+$0xFFFFFFE0]  }
0x20f: {  	[tilespmem:s9+$0xFFFFFFC0] =	vst v3;
	v3 =	vld [tilespmem:s10+$0xFFFFFFF0]  }
0x210: {  	v7 =	vld [tilespmem:s10+$0xFFFFFF90]  }
0x211: {  	v6 =	vld.idx.msk [tilespmem:v6+s4+$0x0], $0xffff  }
0x212: {  	v8 =	vld.idx.msk [tilespmem:v5+s4+$0x0], $0xffff  }
0x213: {  	v5 =	vld.idx.msk [tilespmem:v4+s4+$0x0], $0xffff  }
0x214: {  	v4 =	vld.idx.msk [tilespmem:v2+s4+$0x0], $0xffff  }
0x215: {  	v2 =	vld.idx.msk [tilespmem:v0+s4+$0x0], $0xffff  }
0x216: {  	v0 =	vld.idx.msk [tilespmem:v1+s4+$0x0], $0xffff  }
0x217: {  	v1 =	vld.idx.msk [tilespmem:v3+s4+$0x0], $0xffff;
	[tilespmem:s7+$0x0] =	vst v6  }
0x218: {  	s9 =	simm.s32 $0x0;
	s10 =	simm.s32 $0x19BF0;
	v3 =	vld.idx.msk [tilespmem:v7+s4+$0x0], $0xffff;
	[tilespmem:s7+$0xFFFFFFA0] =	vst v8  }
.LBB2_37:
0x219: {  	v6 =	vld [tilespmem:s10+$0x0];
	s9 =	sadd.s32 $0x80, s9;
	[tilespmem:s7+$0xFFFFFFB0] =	vst v5  }
0x21a: {  	v5 =	vld [tilespmem:s10+$0xFFFFFFA0];
	p1 =	slt.u32 s9, $0x180;
	[tilespmem:s7+$0xFFFFFFC0] =	vst v4  }
0x21b: {  	v4 =	vld [tilespmem:s10+$0xFFFFFFB0];
	[tilespmem:s7+$0xFFFFFFD0] =	vst v2  }
0x21c: {  	v2 =	vld [tilespmem:s10+$0xFFFFFFC0];
	[tilespmem:s7+$0xFFFFFFE0] =	vst v0  }
0x21d: {  	v0 =	vld [tilespmem:s10+$0xFFFFFFD0];
	[tilespmem:s7+$0xFFFFFFF0] =	vst v1  }
0x21e: {  	v1 =	vld [tilespmem:s10+$0xFFFFFFE0];
	[tilespmem:s7+$0xFFFFFF90] =	vst v3  }
0x21f: {  	v3 =	vld [tilespmem:s10+$0xFFFFFFF0]  }
0x220: {  	v7 =	vld [tilespmem:s10+$0xFFFFFF90]  }
0x221: {  	v6 =	vld.idx.msk [tilespmem:v6+s4+$0x0], $0xffff  }
0x222: {  	v8 =	vld.idx.msk [tilespmem:v5+s4+$0x0], $0xffff  }
0x223: {  	v5 =	vld.idx.msk [tilespmem:v4+s4+$0x0], $0xffff  }
.Ltmp17:
0x224: {  	v4 =	vld.idx.msk [tilespmem:v2+s4+$0x0], $0xffff;
	(pc) =	sbr.rel @p1 .LBB2_37-.Ltmp17, $4  }
0x225: {  	v2 =	vld.idx.msk [tilespmem:v0+s4+$0x0], $0xffff  }
0x226: {  	s7 =	sadd.s32 $0x400, s7;
	v0 =	vld.idx.msk [tilespmem:v1+s4+$0x0], $0xffff  }
0x227: {  	v1 =	vld.idx.msk [tilespmem:v3+s4+$0x0], $0xffff;
	[tilespmem:s7+$0x0] =	vst v6  }
0x228: {  	s10 =	sadd.s32 $0x400, s10;
	v3 =	vld.idx.msk [tilespmem:v7+s4+$0x0], $0xffff;
	[tilespmem:s7+$0xFFFFFFA0] =	vst v8  }
0x229: {  	[tilespmem:s7+$0xFFFFFFB0] =	vst v5  }
0x22a: {  	[tilespmem:s7+$0xFFFFFFC0] =	vst v4  }
0x22b: {  	[tilespmem:s7+$0xFFFFFFD0] =	vst v2  }
0x22c: {  	[tilespmem:s7+$0xFFFFFFE0] =	vst v0  }
0x22d: {  	[tilespmem:s7+$0xFFFFFFF0] =	vst v1  }
0x22e: {  	[tilespmem:s7+$0xFFFFFF90] =	vst v3  }
0x22f: {  	s20 =	sshrl.u32 s17, $0x3;
	s7 =	rddreg [dreg:$0x10]  }
0x230: {  	s7 =	sadd.s32 s20, s7  }
0x231: {  	[hbm4b:s7+s24] =	stream.strided.scatter [tilespmem:s6], [sflag:$0x4], $0x100, s31, s24, $0x38;
	[tilespmem:$0x1C700] =	vst v63  }
0x232: {  	s9 =	sadd.s32 $0x80, s7  }
0x233: {  	[hbm4b:s9+s24] =	stream.strided.scatter [tilespmem:s8], [sflag:$0x4], $0x100, s31, s24, $0x38;
	[tilespmem:$0x1C700] =	vst v63  }
0x234: {  	s11 =	sadd.s32 $0x100, s7  }
0x235: {  	[hbm4b:s11+s24] =	stream.strided.scatter [tilespmem:s15], [sflag:$0x4], $0x100, s31, s24, $0x38;
	[tilespmem:$0x1C700] =	vst v63  }
0x236: {  	s7 =	sadd.s32 $0x180, s7  }
0x237: {  	[hbm4b:s7+s24] =	stream.strided.scatter [tilespmem:s18], [sflag:$0x4], $0x100, s31, s24, $0x38;
	[tilespmem:$0x1C700] =	vst v63  }
0x238: {  	s12 =	rddreg [dreg:$0x12]  }
0x239: {  	[tilespmem:s29], [sflag:$0x2] =	stream.linear.gather [hbm4b:s12+s4], $0x100, $0x38;
	[tilespmem:$0x1C700] =	vst v63  }
0x23a: {  	s10 =	simm.s32 $0x19B00;
	s13 =	sadd.s32 $0x80, s12  }
0x23b: {  	[tilespmem:s10], [sflag:$0x2] =	stream.linear.gather [hbm4b:s13+s4], $0x100, $0x38;
	[tilespmem:$0x1C700] =	vst v63  }
0x23c: {  	s23 =	simm.s32 $0x19F00;
	s16 =	sadd.s32 $0x100, s12  }
0x23d: {  	[tilespmem:s23], [sflag:$0x2] =	stream.linear.gather [hbm4b:s16+s4], $0x100, $0x38;
	[tilespmem:$0x1C700] =	vst v63  }
0x23e: {  	s28 =	simm.s32 $0x1A300;
	s26 =	sadd.s32 $0x180, s12;
	s23 =	simm.s32 $0x1  }
0x23f: {  	[tilespmem:s28], [sflag:$0x2] =	stream.linear.gather [hbm4b:s26+s4], $0x100, $0x38;
	[tilespmem:$0x1C700] =	vst v63  }
.LBB2_39:
0x240: {  	_ =	swait.ge [sflag:s19], $0x400  }
0x241: {  	[sflag:s19] =	ssyncset.done $0x0  }
0x242: {  	[sflag:s19] =	ssyncadd.s32 $0xFFFFFC00  }
0x243: {  	_ =	swait.ge [sflag:s30], $0x400  }
0x244: {  	[sflag:s30] =	ssyncset.done $0x0  }
0x245: {  	s7 =	simm.s32 $0x18740;
	[sflag:s30] =	ssyncadd.s32 $0xFFFFFC00  }
0x246: {  	v0 =	vld [tilespmem:s7+$0x30]  }
0x247: {  	v1 =	vld [tilespmem:s7+$0xFFFFFFD0]  }
0x248: {  	v2 =	vld [tilespmem:s7+$0xFFFFFFE0]  }
0x249: {  	v3 =	vld [tilespmem:s7+$0xFFFFFFF0]  }
0x24a: {  	v6 =	vld [tilespmem:s7+$0x0]  }
0x24b: {  	v7 =	vld [tilespmem:s7+$0x10]  }
0x24c: {  	v8 =	vld [tilespmem:s7+$0x20]  }
0x24d: {  	v9 =	vld [tilespmem:s7+$0xFFFFFFC0]  }
0x24e: {  	v10 =	vld.idx.msk [tilespmem:v0+s4+$0x0], $0xffff  }
0x24f: {  	v11 =	vld.idx.msk [tilespmem:v1+s4+$0x0], $0xffff  }
0x250: {  	v5 =	vld.idx.msk [tilespmem:v2+s4+$0x0], $0xffff  }
0x251: {  	v4 =	vld.idx.msk [tilespmem:v3+s4+$0x0], $0xffff  }
0x252: {  	v2 =	vld.idx.msk [tilespmem:v6+s4+$0x0], $0xffff  }
0x253: {  	s7 =	simm.s32 $0x1A740;
	v1 =	vld.idx.msk [tilespmem:v7+s4+$0x0], $0xffff  }
0x254: {  	v0 =	vld.idx.msk [tilespmem:v8+s4+$0x0], $0xffff;
	[tilespmem:s7+$0x30] =	vst v10  }
0x255: {  	s10 =	simm.s32 $0x0;
	s11 =	simm.s32 $0x18B40;
	v3 =	vld.idx.msk [tilespmem:v9+s4+$0x0], $0xffff;
	[tilespmem:s7+$0xFFFFFFD0] =	vst v11  }
.LBB2_40:
0x256: {  	v6 =	vld [tilespmem:s11+$0x30];
	s10 =	sadd.s32 $0x80, s10;
	[tilespmem:s7+$0xFFFFFFE0] =	vst v5  }
0x257: {  	v5 =	vld [tilespmem:s11+$0xFFFFFFD0];
	p1 =	slt.u32 s10, $0x180;
	[tilespmem:s7+$0xFFFFFFF0] =	vst v4  }
0x258: {  	v4 =	vld [tilespmem:s11+$0xFFFFFFE0];
	[tilespmem:s7+$0x0] =	vst v2  }
0x259: {  	v2 =	vld [tilespmem:s11+$0xFFFFFFF0];
	[tilespmem:s7+$0x10] =	vst v1  }
0x25a: {  	v1 =	vld [tilespmem:s11+$0x0];
	[tilespmem:s7+$0x20] =	vst v0  }
0x25b: {  	v0 =	vld [tilespmem:s11+$0x10];
	[tilespmem:s7+$0xFFFFFFC0] =	vst v3  }
0x25c: {  	v3 =	vld [tilespmem:s11+$0x20]  }
0x25d: {  	v7 =	vld [tilespmem:s11+$0xFFFFFFC0]  }
0x25e: {  	v6 =	vld.idx.msk [tilespmem:v6+s4+$0x0], $0xffff  }
0x25f: {  	v8 =	vld.idx.msk [tilespmem:v5+s4+$0x0], $0xffff  }
0x260: {  	v5 =	vld.idx.msk [tilespmem:v4+s4+$0x0], $0xffff  }
.Ltmp18:
0x261: {  	v4 =	vld.idx.msk [tilespmem:v2+s4+$0x0], $0xffff;
	(pc) =	sbr.rel @p1 .LBB2_40-.Ltmp18, $4  }
0x262: {  	v2 =	vld.idx.msk [tilespmem:v1+s4+$0x0], $0xffff  }
0x263: {  	s7 =	sadd.s32 $0x400, s7;
	v1 =	vld.idx.msk [tilespmem:v0+s4+$0x0], $0xffff  }
0x264: {  	s9 =	simm.s32 $0x1A7F0;
	s12 =	simm.s32 $0x187F0;
	v0 =	vld.idx.msk [tilespmem:v3+s4+$0x0], $0xffff;
	[tilespmem:s7+$0x30] =	vst v6  }
0x265: {  	s11 =	sadd.s32 $0x400, s11;
	v3 =	vld.idx.msk [tilespmem:v7+s4+$0x0], $0xffff;
	[tilespmem:s7+$0xFFFFFFD0] =	vst v8  }
0x266: {  	v6 =	vld [tilespmem:s12+$0x0]  }
0x267: {  	[tilespmem:s7+$0xFFFFFFE0] =	vst v5;
	v5 =	vld [tilespmem:s12+$0xFFFFFFA0]  }
0x268: {  	[tilespmem:s7+$0xFFFFFFF0] =	vst v4;
	v4 =	vld [tilespmem:s12+$0xFFFFFFB0]  }
0x269: {  	[tilespmem:s7+$0x0] =	vst v2;
	v2 =	vld [tilespmem:s12+$0xFFFFFFC0]  }
0x26a: {  	[tilespmem:s7+$0x10] =	vst v1;
	v1 =	vld [tilespmem:s12+$0xFFFFFFD0]  }
0x26b: {  	[tilespmem:s7+$0x20] =	vst v0;
	v0 =	vld [tilespmem:s12+$0xFFFFFFE0]  }
0x26c: {  	[tilespmem:s7+$0xFFFFFFC0] =	vst v3;
	v7 =	vld [tilespmem:s12+$0xFFFFFFF0]  }
0x26d: {  	v8 =	vld [tilespmem:s12+$0xFFFFFF90]  }
0x26e: {  	v6 =	vld.idx.msk [tilespmem:v6+s4+$0x0], $0xffff  }
0x26f: {  	v9 =	vld.idx.msk [tilespmem:v5+s4+$0x0], $0xffff  }
0x270: {  	v5 =	vld.idx.msk [tilespmem:v4+s4+$0x0], $0xffff  }
0x271: {  	v4 =	vld.idx.msk [tilespmem:v2+s4+$0x0], $0xffff  }
0x272: {  	v3 =	vld.idx.msk [tilespmem:v1+s4+$0x0], $0xffff  }
0x273: {  	v1 =	vld.idx.msk [tilespmem:v0+s4+$0x0], $0xffff  }
0x274: {  	v0 =	vld.idx.msk [tilespmem:v7+s4+$0x0], $0xffff;
	[tilespmem:s9+$0x0] =	vst v6  }
0x275: {  	s10 =	simm.s32 $0x18BF0;
	s7 =	simm.s32 $0x0;
	v2 =	vld.idx.msk [tilespmem:v8+s4+$0x0], $0xffff;
	[tilespmem:s9+$0xFFFFFFA0] =	vst v9  }
.LBB2_42:
0x276: {  	v6 =	vld [tilespmem:s10+$0x0];
	s7 =	sadd.s32 $0x80, s7;
	[tilespmem:s9+$0xFFFFFFB0] =	vst v5  }
0x277: {  	v5 =	vld [tilespmem:s10+$0xFFFFFFA0];
	p1 =	slt.u32 s7, $0x180;
	[tilespmem:s9+$0xFFFFFFC0] =	vst v4  }
0x278: {  	v4 =	vld [tilespmem:s10+$0xFFFFFFB0];
	[tilespmem:s9+$0xFFFFFFD0] =	vst v3  }
0x279: {  	v3 =	vld [tilespmem:s10+$0xFFFFFFC0];
	[tilespmem:s9+$0xFFFFFFE0] =	vst v1  }
0x27a: {  	v1 =	vld [tilespmem:s10+$0xFFFFFFD0];
	[tilespmem:s9+$0xFFFFFFF0] =	vst v0  }
0x27b: {  	v0 =	vld [tilespmem:s10+$0xFFFFFFE0];
	[tilespmem:s9+$0xFFFFFF90] =	vst v2  }
0x27c: {  	v2 =	vld [tilespmem:s10+$0xFFFFFFF0]  }
0x27d: {  	v7 =	vld [tilespmem:s10+$0xFFFFFF90]  }
0x27e: {  	v6 =	vld.idx.msk [tilespmem:v6+s4+$0x0], $0xffff  }
0x27f: {  	v8 =	vld.idx.msk [tilespmem:v5+s4+$0x0], $0xffff  }
0x280: {  	v5 =	vld.idx.msk [tilespmem:v4+s4+$0x0], $0xffff  }
.Ltmp19:
0x281: {  	v4 =	vld.idx.msk [tilespmem:v3+s4+$0x0], $0xffff;
	(pc) =	sbr.rel @p1 .LBB2_42-.Ltmp19, $4  }
0x282: {  	v3 =	vld.idx.msk [tilespmem:v1+s4+$0x0], $0xffff  }
0x283: {  	s9 =	sadd.s32 $0x400, s9;
	v1 =	vld.idx.msk [tilespmem:v0+s4+$0x0], $0xffff  }
0x284: {  	v0 =	vld.idx.msk [tilespmem:v2+s4+$0x0], $0xffff;
	[tilespmem:s9+$0x0] =	vst v6  }
0x285: {  	s10 =	sadd.s32 $0x400, s10;
	v2 =	vld.idx.msk [tilespmem:v7+s4+$0x0], $0xffff;
	[tilespmem:s9+$0xFFFFFFA0] =	vst v8  }
0x286: {  	[tilespmem:s9+$0xFFFFFFB0] =	vst v5  }
0x287: {  	[tilespmem:s9+$0xFFFFFFC0] =	vst v4  }
0x288: {  	s7 =	sshll.u32 s23, $0xD;
	[tilespmem:s9+$0xFFFFFFD0] =	vst v3  }
0x289: {  	s10 =	sor.u32 s7, s14;
	[tilespmem:s9+$0xFFFFFFE0] =	vst v1  }
0x28a: {  	s10 =	sshrl.u32 s10, $0x3;
	[tilespmem:s9+$0xFFFFFFF0] =	vst v0  }
0x28b: {  	s13 =	sadd.s32 s3, s10;
	[tilespmem:s9+$0xFFFFFF90] =	vst v2  }
0x28c: {  	[hbm4b:s13+s24] =	stream.strided.scatter [tilespmem:s0], [sflag:$0x3], $0x100, s31, s24, $0x38;
	[tilespmem:$0x1C700] =	vst v63  }
0x28d: {  	s10 =	sadd.s32 $0x80, s13  }
0x28e: {  	[hbm4b:s10+s24] =	stream.strided.scatter [tilespmem:s5], [sflag:$0x3], $0x100, s31, s24, $0x38;
	[tilespmem:$0x1C700] =	vst v63  }
0x28f: {  	s16 =	sadd.s32 $0x100, s13  }
0x290: {  	[hbm4b:s16+s24] =	stream.strided.scatter [tilespmem:s22], [sflag:$0x3], $0x100, s31, s24, $0x38;
	[tilespmem:$0x1C700] =	vst v63  }
0x291: {  	s9 =	sadd.s32 $0x180, s13  }
0x292: {  	[hbm4b:s9+s24] =	stream.strided.scatter [tilespmem:s1], [sflag:$0x3], $0x100, s31, s24, $0x38;
	[tilespmem:$0x1C700] =	vst v63  }
0x293: {  	s26 =	rddreg [dreg:$0xe];
	s9 =	sshll.u32 s23, $0xA  }
0x294: {  	s11 =	simm.s32 $0x18700;
	s10 =	sadd.s32 s9, s26  }
0x295: {  	[tilespmem:s11], [sflag:$0x1] =	stream.linear.gather [hbm4b:s10+s4], $0x100, $0x38;
	[tilespmem:$0x1C700] =	vst v63  }
0x296: {  	s12 =	simm.s32 $0x18B00;
	s28 =	sadd.s32 $0x80, s10  }
0x297: {  	[tilespmem:s12], [sflag:$0x1] =	stream.linear.gather [hbm4b:s28+s4], $0x100, $0x38;
	[tilespmem:$0x1C700] =	vst v63  }
0x298: {  	s16 =	simm.s32 $0x18F00;
	s13 =	sadd.s32 $0x100, s10  }
0x299: {  	[tilespmem:s16], [sflag:$0x1] =	stream.linear.gather [hbm4b:s13+s4], $0x100, $0x38;
	[tilespmem:$0x1C700] =	vst v63  }
0x29a: {  	s26 =	simm.s32 $0x19300;
	s10 =	sadd.s32 $0x180, s10  }
0x29b: {  	[tilespmem:s26], [sflag:$0x1] =	stream.linear.gather [hbm4b:s10+s4], $0x100, $0x38;
	[tilespmem:$0x1C700] =	vst v63  }
0x29c: {  	_ =	swait.ge [sflag:s21], $0x400  }
0x29d: {  	[sflag:s21] =	ssyncset.done $0x0  }
0x29e: {  	[sflag:s21] =	ssyncadd.s32 $0xFFFFFC00  }
0x29f: {  	_ =	swait.ge [sflag:s25], $0x400  }
0x2a0: {  	[sflag:s25] =	ssyncset.done $0x0  }
0x2a1: {  	s28 =	simm.s32 $0x19740;
	[sflag:s25] =	ssyncadd.s32 $0xFFFFFC00  }
0x2a2: {  	v0 =	vld [tilespmem:s28+$0x30]  }
0x2a3: {  	v1 =	vld [tilespmem:s28+$0xFFFFFFD0]  }
0x2a4: {  	v2 =	vld [tilespmem:s28+$0xFFFFFFE0]  }
0x2a5: {  	v3 =	vld [tilespmem:s28+$0xFFFFFFF0]  }
0x2a6: {  	v6 =	vld [tilespmem:s28+$0x0]  }
0x2a7: {  	v7 =	vld [tilespmem:s28+$0x10]  }
0x2a8: {  	v8 =	vld [tilespmem:s28+$0x20]  }
0x2a9: {  	v9 =	vld [tilespmem:s28+$0xFFFFFFC0]  }
0x2aa: {  	v10 =	vld.idx.msk [tilespmem:v0+s4+$0x0], $0xffff  }
0x2ab: {  	v11 =	vld.idx.msk [tilespmem:v1+s4+$0x0], $0xffff  }
0x2ac: {  	v5 =	vld.idx.msk [tilespmem:v2+s4+$0x0], $0xffff  }
0x2ad: {  	v4 =	vld.idx.msk [tilespmem:v3+s4+$0x0], $0xffff  }
0x2ae: {  	v2 =	vld.idx.msk [tilespmem:v6+s4+$0x0], $0xffff  }
0x2af: {  	s11 =	simm.s32 $0x1B740;
	v1 =	vld.idx.msk [tilespmem:v7+s4+$0x0], $0xffff  }
0x2b0: {  	v0 =	vld.idx.msk [tilespmem:v8+s4+$0x0], $0xffff;
	[tilespmem:s11+$0x30] =	vst v10  }
0x2b1: {  	s12 =	simm.s32 $0x0;
	s13 =	simm.s32 $0x19B40;
	v3 =	vld.idx.msk [tilespmem:v9+s4+$0x0], $0xffff;
	[tilespmem:s11+$0xFFFFFFD0] =	vst v11  }
.LBB2_44:
0x2b2: {  	v6 =	vld [tilespmem:s13+$0x30];
	s12 =	sadd.s32 $0x80, s12;
	[tilespmem:s11+$0xFFFFFFE0] =	vst v5  }
0x2b3: {  	v5 =	vld [tilespmem:s13+$0xFFFFFFD0];
	p1 =	slt.u32 s12, $0x180;
	[tilespmem:s11+$0xFFFFFFF0] =	vst v4  }
0x2b4: {  	v4 =	vld [tilespmem:s13+$0xFFFFFFE0];
	[tilespmem:s11+$0x0] =	vst v2  }
0x2b5: {  	v2 =	vld [tilespmem:s13+$0xFFFFFFF0];
	[tilespmem:s11+$0x10] =	vst v1  }
0x2b6: {  	v1 =	vld [tilespmem:s13+$0x0];
	[tilespmem:s11+$0x20] =	vst v0  }
0x2b7: {  	v0 =	vld [tilespmem:s13+$0x10];
	[tilespmem:s11+$0xFFFFFFC0] =	vst v3  }
0x2b8: {  	v3 =	vld [tilespmem:s13+$0x20]  }
0x2b9: {  	v7 =	vld [tilespmem:s13+$0xFFFFFFC0]  }
0x2ba: {  	v6 =	vld.idx.msk [tilespmem:v6+s4+$0x0], $0xffff  }
0x2bb: {  	v8 =	vld.idx.msk [tilespmem:v5+s4+$0x0], $0xffff  }
0x2bc: {  	v5 =	vld.idx.msk [tilespmem:v4+s4+$0x0], $0xffff  }
.Ltmp20:
0x2bd: {  	v4 =	vld.idx.msk [tilespmem:v2+s4+$0x0], $0xffff;
	(pc) =	sbr.rel @p1 .LBB2_44-.Ltmp20, $4  }
0x2be: {  	v2 =	vld.idx.msk [tilespmem:v1+s4+$0x0], $0xffff  }
0x2bf: {  	s11 =	sadd.s32 $0x400, s11;
	v1 =	vld.idx.msk [tilespmem:v0+s4+$0x0], $0xffff  }
0x2c0: {  	s10 =	simm.s32 $0x1B7F0;
	s16 =	simm.s32 $0x197F0;
	v0 =	vld.idx.msk [tilespmem:v3+s4+$0x0], $0xffff;
	[tilespmem:s11+$0x30] =	vst v6  }
0x2c1: {  	s13 =	sadd.s32 $0x400, s13;
	v3 =	vld.idx.msk [tilespmem:v7+s4+$0x0], $0xffff;
	[tilespmem:s11+$0xFFFFFFD0] =	vst v8  }
0x2c2: {  	v6 =	vld [tilespmem:s16+$0x0]  }
0x2c3: {  	[tilespmem:s11+$0xFFFFFFE0] =	vst v5;
	v5 =	vld [tilespmem:s16+$0xFFFFFFA0]  }
0x2c4: {  	[tilespmem:s11+$0xFFFFFFF0] =	vst v4;
	v4 =	vld [tilespmem:s16+$0xFFFFFFB0]  }
0x2c5: {  	[tilespmem:s11+$0x0] =	vst v2;
	v2 =	vld [tilespmem:s16+$0xFFFFFFC0]  }
0x2c6: {  	[tilespmem:s11+$0x10] =	vst v1;
	v1 =	vld [tilespmem:s16+$0xFFFFFFD0]  }
0x2c7: {  	[tilespmem:s11+$0x20] =	vst v0;
	v0 =	vld [tilespmem:s16+$0xFFFFFFE0]  }
0x2c8: {  	[tilespmem:s11+$0xFFFFFFC0] =	vst v3;
	v7 =	vld [tilespmem:s16+$0xFFFFFFF0]  }
0x2c9: {  	v8 =	vld [tilespmem:s16+$0xFFFFFF90]  }
0x2ca: {  	v6 =	vld.idx.msk [tilespmem:v6+s4+$0x0], $0xffff  }
0x2cb: {  	v9 =	vld.idx.msk [tilespmem:v5+s4+$0x0], $0xffff  }
0x2cc: {  	v5 =	vld.idx.msk [tilespmem:v4+s4+$0x0], $0xffff  }
0x2cd: {  	v4 =	vld.idx.msk [tilespmem:v2+s4+$0x0], $0xffff  }
0x2ce: {  	v3 =	vld.idx.msk [tilespmem:v1+s4+$0x0], $0xffff  }
0x2cf: {  	v1 =	vld.idx.msk [tilespmem:v0+s4+$0x0], $0xffff  }
0x2d0: {  	v0 =	vld.idx.msk [tilespmem:v7+s4+$0x0], $0xffff;
	[tilespmem:s10+$0x0] =	vst v6  }
0x2d1: {  	s12 =	simm.s32 $0x19BF0;
	s11 =	simm.s32 $0x0;
	v2 =	vld.idx.msk [tilespmem:v8+s4+$0x0], $0xffff;
	[tilespmem:s10+$0xFFFFFFA0] =	vst v9  }
.LBB2_46:
0x2d2: {  	v6 =	vld [tilespmem:s12+$0x0];
	s11 =	sadd.s32 $0x80, s11;
	[tilespmem:s10+$0xFFFFFFB0] =	vst v5  }
0x2d3: {  	v5 =	vld [tilespmem:s12+$0xFFFFFFA0];
	p1 =	slt.u32 s11, $0x180;
	[tilespmem:s10+$0xFFFFFFC0] =	vst v4  }
0x2d4: {  	v4 =	vld [tilespmem:s12+$0xFFFFFFB0];
	[tilespmem:s10+$0xFFFFFFD0] =	vst v3  }
0x2d5: {  	v3 =	vld [tilespmem:s12+$0xFFFFFFC0];
	[tilespmem:s10+$0xFFFFFFE0] =	vst v1  }
0x2d6: {  	v1 =	vld [tilespmem:s12+$0xFFFFFFD0];
	[tilespmem:s10+$0xFFFFFFF0] =	vst v0  }
0x2d7: {  	v0 =	vld [tilespmem:s12+$0xFFFFFFE0];
	[tilespmem:s10+$0xFFFFFF90] =	vst v2  }
0x2d8: {  	v2 =	vld [tilespmem:s12+$0xFFFFFFF0]  }
0x2d9: {  	v7 =	vld [tilespmem:s12+$0xFFFFFF90]  }
0x2da: {  	v6 =	vld.idx.msk [tilespmem:v6+s4+$0x0], $0xffff  }
0x2db: {  	v8 =	vld.idx.msk [tilespmem:v5+s4+$0x0], $0xffff  }
0x2dc: {  	v5 =	vld.idx.msk [tilespmem:v4+s4+$0x0], $0xffff  }
.Ltmp21:
0x2dd: {  	v4 =	vld.idx.msk [tilespmem:v3+s4+$0x0], $0xffff;
	(pc) =	sbr.rel @p1 .LBB2_46-.Ltmp21, $4  }
0x2de: {  	v3 =	vld.idx.msk [tilespmem:v1+s4+$0x0], $0xffff  }
0x2df: {  	s10 =	sadd.s32 $0x400, s10;
	v1 =	vld.idx.msk [tilespmem:v0+s4+$0x0], $0xffff  }
0x2e0: {  	v0 =	vld.idx.msk [tilespmem:v2+s4+$0x0], $0xffff;
	[tilespmem:s10+$0x0] =	vst v6  }
0x2e1: {  	s12 =	sadd.s32 $0x400, s12;
	v2 =	vld.idx.msk [tilespmem:v7+s4+$0x0], $0xffff;
	[tilespmem:s10+$0xFFFFFFA0] =	vst v8  }
0x2e2: {  	[tilespmem:s10+$0xFFFFFFB0] =	vst v5  }
0x2e3: {  	[tilespmem:s10+$0xFFFFFFC0] =	vst v4  }
0x2e4: {  	s7 =	sor.u32 s7, s17;
	[tilespmem:s10+$0xFFFFFFD0] =	vst v3  }
0x2e5: {  	s7 =	sshrl.u32 s7, $0x3;
	[tilespmem:s10+$0xFFFFFFE0] =	vst v1  }
0x2e6: {  	s7 =	sor.u32 $0x600200, s7;
	[tilespmem:s10+$0xFFFFFFF0] =	vst v0  }
0x2e7: {  	s7 =	sadd.s32 s3, s7;
	[tilespmem:s10+$0xFFFFFF90] =	vst v2  }
0x2e8: {  	[hbm4b:s7+s24] =	stream.strided.scatter [tilespmem:s6], [sflag:$0x4], $0x100, s31, s24, $0x38;
	[tilespmem:$0x1C700] =	vst v63  }
0x2e9: {  	s28 =	sadd.s32 $0x80, s7  }
0x2ea: {  	[hbm4b:s28+s24] =	stream.strided.scatter [tilespmem:s8], [sflag:$0x4], $0x100, s31, s24, $0x38;
	[tilespmem:$0x1C700] =	vst v63  }
0x2eb: {  	s11 =	sadd.s32 $0x100, s7  }
0x2ec: {  	[hbm4b:s11+s24] =	stream.strided.scatter [tilespmem:s15], [sflag:$0x4], $0x100, s31, s24, $0x38;
	[tilespmem:$0x1C700] =	vst v63  }
0x2ed: {  	s7 =	sadd.s32 $0x180, s7;
	s12 =	rddreg [dreg:$0x12]  }
0x2ee: {  	[hbm4b:s7+s24] =	stream.strided.scatter [tilespmem:s18], [sflag:$0x4], $0x100, s31, s24, $0x38;
	[tilespmem:$0x1C700] =	vst v63  }
0x2ef: {  	s23 =	sadd.s32 $0x1, s23;
	s7 =	sadd.s32 s9, s12  }
0x2f0: {  	[tilespmem:s29], [sflag:$0x2] =	stream.linear.gather [hbm4b:s7+s4], $0x100, $0x38;
	[tilespmem:$0x1C700] =	vst v63  }
0x2f1: {  	s13 =	simm.s32 $0x19B00;
	p1 =	sne.s32 s23, $0xF;
	s9 =	sadd.s32 $0x80, s7  }
0x2f2: {  	[tilespmem:s13], [sflag:$0x2] =	stream.linear.gather [hbm4b:s9+s4], $0x100, $0x38;
	[tilespmem:$0x1C700] =	vst v63  }
.Ltmp22:
0x2f3: {  	_ = 	snop;
	(pc) =	sbr.rel @p1 .LBB2_39-.Ltmp22, $4  }
0x2f4: {  	s26 =	simm.s32 $0x19F00;
	s16 =	sadd.s32 $0x100, s7  }
0x2f5: {  	[tilespmem:s26], [sflag:$0x2] =	stream.linear.gather [hbm4b:s16+s4], $0x100, $0x38;
	[tilespmem:$0x1C700] =	vst v63  }
0x2f6: {  	s28 =	simm.s32 $0x1A300;
	s7 =	sadd.s32 $0x180, s7  }
0x2f7: {  	[tilespmem:s28], [sflag:$0x2] =	stream.linear.gather [hbm4b:s7+s4], $0x100, $0x38;
	[tilespmem:$0x1C700] =	vst v63  }
0x2f8: {  	_ =	swait.ge [sflag:s19], $0x400  }
0x2f9: {  	[sflag:s19] =	ssyncset.done $0x0  }
0x2fa: {  	[sflag:s19] =	ssyncadd.s32 $0xFFFFFC00  }
0x2fb: {  	_ =	swait.ge [sflag:s30], $0x400  }
0x2fc: {  	[sflag:s30] =	ssyncset.done $0x0  }
0x2fd: {  	s7 =	simm.s32 $0x18740;
	[sflag:s30] =	ssyncadd.s32 $0xFFFFFC00  }
0x2fe: {  	v0 =	vld [tilespmem:s7+$0x30]  }
0x2ff: {  	v1 =	vld [tilespmem:s7+$0xFFFFFFD0]  }
0x300: {  	v2 =	vld [tilespmem:s7+$0xFFFFFFE0]  }
0x301: {  	v3 =	vld [tilespmem:s7+$0xFFFFFFF0]  }
0x302: {  	v6 =	vld [tilespmem:s7+$0x0]  }
0x303: {  	v7 =	vld [tilespmem:s7+$0x10]  }
0x304: {  	v8 =	vld [tilespmem:s7+$0x20]  }
0x305: {  	v9 =	vld [tilespmem:s7+$0xFFFFFFC0]  }
0x306: {  	v10 =	vld.idx.msk [tilespmem:v0+s4+$0x0], $0xffff  }
0x307: {  	v11 =	vld.idx.msk [tilespmem:v1+s4+$0x0], $0xffff  }
0x308: {  	v5 =	vld.idx.msk [tilespmem:v2+s4+$0x0], $0xffff  }
0x309: {  	v4 =	vld.idx.msk [tilespmem:v3+s4+$0x0], $0xffff  }
0x30a: {  	v2 =	vld.idx.msk [tilespmem:v6+s4+$0x0], $0xffff  }
0x30b: {  	s9 =	simm.s32 $0x1A740;
	v1 =	vld.idx.msk [tilespmem:v7+s4+$0x0], $0xffff  }
0x30c: {  	v0 =	vld.idx.msk [tilespmem:v8+s4+$0x0], $0xffff;
	[tilespmem:s9+$0x30] =	vst v10  }
0x30d: {  	s10 =	simm.s32 $0x0;
	s11 =	simm.s32 $0x18B40;
	v3 =	vld.idx.msk [tilespmem:v9+s4+$0x0], $0xffff;
	[tilespmem:s9+$0xFFFFFFD0] =	vst v11  }
.LBB2_49:
0x30e: {  	v6 =	vld [tilespmem:s11+$0x30];
	s10 =	sadd.s32 $0x80, s10;
	[tilespmem:s9+$0xFFFFFFE0] =	vst v5  }
0x30f: {  	v5 =	vld [tilespmem:s11+$0xFFFFFFD0];
	p1 =	slt.u32 s10, $0x180;
	[tilespmem:s9+$0xFFFFFFF0] =	vst v4  }
0x310: {  	v4 =	vld [tilespmem:s11+$0xFFFFFFE0];
	[tilespmem:s9+$0x0] =	vst v2  }
0x311: {  	v2 =	vld [tilespmem:s11+$0xFFFFFFF0];
	[tilespmem:s9+$0x10] =	vst v1  }
0x312: {  	v1 =	vld [tilespmem:s11+$0x0];
	[tilespmem:s9+$0x20] =	vst v0  }
0x313: {  	v0 =	vld [tilespmem:s11+$0x10];
	[tilespmem:s9+$0xFFFFFFC0] =	vst v3  }
0x314: {  	v3 =	vld [tilespmem:s11+$0x20]  }
0x315: {  	v7 =	vld [tilespmem:s11+$0xFFFFFFC0]  }
0x316: {  	v6 =	vld.idx.msk [tilespmem:v6+s4+$0x0], $0xffff  }
0x317: {  	v8 =	vld.idx.msk [tilespmem:v5+s4+$0x0], $0xffff  }
0x318: {  	v5 =	vld.idx.msk [tilespmem:v4+s4+$0x0], $0xffff  }
.Ltmp23:
0x319: {  	v4 =	vld.idx.msk [tilespmem:v2+s4+$0x0], $0xffff;
	(pc) =	sbr.rel @p1 .LBB2_49-.Ltmp23, $4  }
0x31a: {  	v2 =	vld.idx.msk [tilespmem:v1+s4+$0x0], $0xffff  }
0x31b: {  	s9 =	sadd.s32 $0x400, s9;
	v1 =	vld.idx.msk [tilespmem:v0+s4+$0x0], $0xffff  }
0x31c: {  	s7 =	simm.s32 $0x1A7F0;
	s12 =	simm.s32 $0x187F0;
	v0 =	vld.idx.msk [tilespmem:v3+s4+$0x0], $0xffff;
	[tilespmem:s9+$0x30] =	vst v6  }
0x31d: {  	s11 =	sadd.s32 $0x400, s11;
	v3 =	vld.idx.msk [tilespmem:v7+s4+$0x0], $0xffff;
	[tilespmem:s9+$0xFFFFFFD0] =	vst v8  }
0x31e: {  	v6 =	vld [tilespmem:s12+$0x0]  }
0x31f: {  	[tilespmem:s9+$0xFFFFFFE0] =	vst v5;
	v5 =	vld [tilespmem:s12+$0xFFFFFFA0]  }
0x320: {  	[tilespmem:s9+$0xFFFFFFF0] =	vst v4;
	v4 =	vld [tilespmem:s12+$0xFFFFFFB0]  }
0x321: {  	[tilespmem:s9+$0x0] =	vst v2;
	v2 =	vld [tilespmem:s12+$0xFFFFFFC0]  }
0x322: {  	[tilespmem:s9+$0x10] =	vst v1;
	v1 =	vld [tilespmem:s12+$0xFFFFFFD0]  }
0x323: {  	[tilespmem:s9+$0x20] =	vst v0;
	v0 =	vld [tilespmem:s12+$0xFFFFFFE0]  }
0x324: {  	[tilespmem:s9+$0xFFFFFFC0] =	vst v3;
	v7 =	vld [tilespmem:s12+$0xFFFFFFF0]  }
0x325: {  	v8 =	vld [tilespmem:s12+$0xFFFFFF90]  }
0x326: {  	v6 =	vld.idx.msk [tilespmem:v6+s4+$0x0], $0xffff  }
0x327: {  	v9 =	vld.idx.msk [tilespmem:v5+s4+$0x0], $0xffff  }
0x328: {  	v5 =	vld.idx.msk [tilespmem:v4+s4+$0x0], $0xffff  }
0x329: {  	v3 =	vld.idx.msk [tilespmem:v2+s4+$0x0], $0xffff  }
0x32a: {  	v2 =	vld.idx.msk [tilespmem:v1+s4+$0x0], $0xffff  }
0x32b: {  	v0 =	vld.idx.msk [tilespmem:v0+s4+$0x0], $0xffff  }
0x32c: {  	v1 =	vld.idx.msk [tilespmem:v7+s4+$0x0], $0xffff;
	[tilespmem:s7+$0x0] =	vst v6  }
0x32d: {  	s10 =	simm.s32 $0x18BF0;
	s9 =	simm.s32 $0x0;
	v4 =	vld.idx.msk [tilespmem:v8+s4+$0x0], $0xffff;
	[tilespmem:s7+$0xFFFFFFA0] =	vst v9  }
.LBB2_51:
0x32e: {  	v6 =	vld [tilespmem:s10+$0x0];
	s9 =	sadd.s32 $0x80, s9;
	[tilespmem:s7+$0xFFFFFFB0] =	vst v5  }
0x32f: {  	v5 =	vld [tilespmem:s10+$0xFFFFFFA0];
	p1 =	slt.u32 s9, $0x180;
	[tilespmem:s7+$0xFFFFFFC0] =	vst v3  }
0x330: {  	v3 =	vld [tilespmem:s10+$0xFFFFFFB0];
	[tilespmem:s7+$0xFFFFFFD0] =	vst v2  }
0x331: {  	v2 =	vld [tilespmem:s10+$0xFFFFFFC0];
	[tilespmem:s7+$0xFFFFFFE0] =	vst v0  }
0x332: {  	v0 =	vld [tilespmem:s10+$0xFFFFFFD0];
	[tilespmem:s7+$0xFFFFFFF0] =	vst v1  }
0x333: {  	v1 =	vld [tilespmem:s10+$0xFFFFFFE0];
	[tilespmem:s7+$0xFFFFFF90] =	vst v4  }
0x334: {  	v4 =	vld [tilespmem:s10+$0xFFFFFFF0]  }
0x335: {  	v7 =	vld [tilespmem:s10+$0xFFFFFF90]  }
0x336: {  	v6 =	vld.idx.msk [tilespmem:v6+s4+$0x0], $0xffff  }
0x337: {  	v8 =	vld.idx.msk [tilespmem:v5+s4+$0x0], $0xffff  }
0x338: {  	v5 =	vld.idx.msk [tilespmem:v3+s4+$0x0], $0xffff  }
.Ltmp24:
0x339: {  	v3 =	vld.idx.msk [tilespmem:v2+s4+$0x0], $0xffff;
	(pc) =	sbr.rel @p1 .LBB2_51-.Ltmp24, $4  }
0x33a: {  	v2 =	vld.idx.msk [tilespmem:v0+s4+$0x0], $0xffff  }
0x33b: {  	s7 =	sadd.s32 $0x400, s7;
	v0 =	vld.idx.msk [tilespmem:v1+s4+$0x0], $0xffff  }
0x33c: {  	v1 =	vld.idx.msk [tilespmem:v4+s4+$0x0], $0xffff;
	[tilespmem:s7+$0x0] =	vst v6  }
0x33d: {  	s10 =	sadd.s32 $0x400, s10;
	v4 =	vld.idx.msk [tilespmem:v7+s4+$0x0], $0xffff;
	[tilespmem:s7+$0xFFFFFFA0] =	vst v8  }
0x33e: {  	[tilespmem:s7+$0xFFFFFFB0] =	vst v5  }
0x33f: {  	[tilespmem:s7+$0xFFFFFFC0] =	vst v3  }
0x340: {  	[tilespmem:s7+$0xFFFFFFD0] =	vst v2  }
0x341: {  	[tilespmem:s7+$0xFFFFFFE0] =	vst v0  }
0x342: {  	[tilespmem:s7+$0xFFFFFFF0] =	vst v1  }
0x343: {  	[tilespmem:s7+$0xFFFFFF90] =	vst v4  }
0x344: {  	s7 =	rddreg [dreg:$0x11]  }
0x345: {  	s7 =	sadd.s32 s20, s7  }
0x346: {  	[hbm4b:s7+s24] =	stream.strided.scatter [tilespmem:s0], [sflag:$0x3], $0x100, s31, s24, $0x38;
	[tilespmem:$0x1C700] =	vst v63  }
0x347: {  	s9 =	sadd.s32 $0x80, s7  }
0x348: {  	[hbm4b:s9+s24] =	stream.strided.scatter [tilespmem:s5], [sflag:$0x3], $0x100, s31, s24, $0x38;
	[tilespmem:$0x1C700] =	vst v63  }
0x349: {  	s26 =	sadd.s32 $0x100, s7  }
0x34a: {  	[hbm4b:s26+s24] =	stream.strided.scatter [tilespmem:s22], [sflag:$0x3], $0x100, s31, s24, $0x38;
	[tilespmem:$0x1C700] =	vst v63  }
0x34b: {  	s7 =	sadd.s32 $0x180, s7  }
0x34c: {  	[hbm4b:s7+s24] =	stream.strided.scatter [tilespmem:s1], [sflag:$0x3], $0x100, s31, s24, $0x38;
	[tilespmem:$0x1C700] =	vst v63  }
0x34d: {  	_ =	swait.ge [sflag:s21], $0x400  }
0x34e: {  	[sflag:s21] =	ssyncset.done $0x0  }
0x34f: {  	[sflag:s21] =	ssyncadd.s32 $0xFFFFFC00  }
0x350: {  	_ =	swait.ge [sflag:s25], $0x400  }
0x351: {  	[sflag:s25] =	ssyncset.done $0x0  }
0x352: {  	s28 =	simm.s32 $0x19740;
	[sflag:s25] =	ssyncadd.s32 $0xFFFFFC00  }
0x353: {  	v0 =	vld [tilespmem:s28+$0x30]  }
0x354: {  	v1 =	vld [tilespmem:s28+$0xFFFFFFD0]  }
0x355: {  	v2 =	vld [tilespmem:s28+$0xFFFFFFE0]  }
0x356: {  	v3 =	vld [tilespmem:s28+$0xFFFFFFF0]  }
0x357: {  	v6 =	vld [tilespmem:s28+$0x0]  }
0x358: {  	v7 =	vld [tilespmem:s28+$0x10]  }
0x359: {  	v8 =	vld [tilespmem:s28+$0x20]  }
0x35a: {  	v9 =	vld [tilespmem:s28+$0xFFFFFFC0]  }
0x35b: {  	v10 =	vld.idx.msk [tilespmem:v0+s4+$0x0], $0xffff  }
0x35c: {  	v11 =	vld.idx.msk [tilespmem:v1+s4+$0x0], $0xffff  }
0x35d: {  	v5 =	vld.idx.msk [tilespmem:v2+s4+$0x0], $0xffff  }
0x35e: {  	v4 =	vld.idx.msk [tilespmem:v3+s4+$0x0], $0xffff  }
0x35f: {  	v2 =	vld.idx.msk [tilespmem:v6+s4+$0x0], $0xffff  }
0x360: {  	s9 =	simm.s32 $0x1B740;
	v1 =	vld.idx.msk [tilespmem:v7+s4+$0x0], $0xffff  }
0x361: {  	v0 =	vld.idx.msk [tilespmem:v8+s4+$0x0], $0xffff;
	[tilespmem:s9+$0x30] =	vst v10  }
0x362: {  	s10 =	simm.s32 $0x0;
	s11 =	simm.s32 $0x19B40;
	v3 =	vld.idx.msk [tilespmem:v9+s4+$0x0], $0xffff;
	[tilespmem:s9+$0xFFFFFFD0] =	vst v11  }
.LBB2_53:
0x363: {  	v6 =	vld [tilespmem:s11+$0x30];
	s10 =	sadd.s32 $0x80, s10;
	[tilespmem:s9+$0xFFFFFFE0] =	vst v5  }
0x364: {  	v5 =	vld [tilespmem:s11+$0xFFFFFFD0];
	p1 =	slt.u32 s10, $0x180;
	[tilespmem:s9+$0xFFFFFFF0] =	vst v4  }
0x365: {  	v4 =	vld [tilespmem:s11+$0xFFFFFFE0];
	[tilespmem:s9+$0x0] =	vst v2  }
0x366: {  	v2 =	vld [tilespmem:s11+$0xFFFFFFF0];
	[tilespmem:s9+$0x10] =	vst v1  }
0x367: {  	v1 =	vld [tilespmem:s11+$0x0];
	[tilespmem:s9+$0x20] =	vst v0  }
0x368: {  	v0 =	vld [tilespmem:s11+$0x10];
	[tilespmem:s9+$0xFFFFFFC0] =	vst v3  }
0x369: {  	v3 =	vld [tilespmem:s11+$0x20]  }
0x36a: {  	v7 =	vld [tilespmem:s11+$0xFFFFFFC0]  }
0x36b: {  	v6 =	vld.idx.msk [tilespmem:v6+s4+$0x0], $0xffff  }
0x36c: {  	v8 =	vld.idx.msk [tilespmem:v5+s4+$0x0], $0xffff  }
0x36d: {  	v5 =	vld.idx.msk [tilespmem:v4+s4+$0x0], $0xffff  }
.Ltmp25:
0x36e: {  	v4 =	vld.idx.msk [tilespmem:v2+s4+$0x0], $0xffff;
	(pc) =	sbr.rel @p1 .LBB2_53-.Ltmp25, $4  }
0x36f: {  	v2 =	vld.idx.msk [tilespmem:v1+s4+$0x0], $0xffff  }
0x370: {  	s9 =	sadd.s32 $0x400, s9;
	v1 =	vld.idx.msk [tilespmem:v0+s4+$0x0], $0xffff  }
0x371: {  	s7 =	simm.s32 $0x1B7F0;
	s12 =	simm.s32 $0x197F0;
	v0 =	vld.idx.msk [tilespmem:v3+s4+$0x0], $0xffff;
	[tilespmem:s9+$0x30] =	vst v6  }
0x372: {  	s11 =	sadd.s32 $0x400, s11;
	v3 =	vld.idx.msk [tilespmem:v7+s4+$0x0], $0xffff;
	[tilespmem:s9+$0xFFFFFFD0] =	vst v8  }
0x373: {  	v6 =	vld [tilespmem:s12+$0x0]  }
0x374: {  	[tilespmem:s9+$0xFFFFFFE0] =	vst v5;
	v5 =	vld [tilespmem:s12+$0xFFFFFFA0]  }
0x375: {  	[tilespmem:s9+$0xFFFFFFF0] =	vst v4;
	v4 =	vld [tilespmem:s12+$0xFFFFFFB0]  }
0x376: {  	[tilespmem:s9+$0x0] =	vst v2;
	v2 =	vld [tilespmem:s12+$0xFFFFFFC0]  }
0x377: {  	[tilespmem:s9+$0x10] =	vst v1;
	v1 =	vld [tilespmem:s12+$0xFFFFFFD0]  }
0x378: {  	[tilespmem:s9+$0x20] =	vst v0;
	v0 =	vld [tilespmem:s12+$0xFFFFFFE0]  }
0x379: {  	[tilespmem:s9+$0xFFFFFFC0] =	vst v3;
	v7 =	vld [tilespmem:s12+$0xFFFFFFF0]  }
0x37a: {  	v8 =	vld [tilespmem:s12+$0xFFFFFF90]  }
0x37b: {  	v6 =	vld.idx.msk [tilespmem:v6+s4+$0x0], $0xffff  }
0x37c: {  	v9 =	vld.idx.msk [tilespmem:v5+s4+$0x0], $0xffff  }
0x37d: {  	v5 =	vld.idx.msk [tilespmem:v4+s4+$0x0], $0xffff  }
0x37e: {  	v3 =	vld.idx.msk [tilespmem:v2+s4+$0x0], $0xffff  }
0x37f: {  	v2 =	vld.idx.msk [tilespmem:v1+s4+$0x0], $0xffff  }
0x380: {  	v0 =	vld.idx.msk [tilespmem:v0+s4+$0x0], $0xffff  }
0x381: {  	v1 =	vld.idx.msk [tilespmem:v7+s4+$0x0], $0xffff;
	[tilespmem:s7+$0x0] =	vst v6  }
0x382: {  	s10 =	simm.s32 $0x19BF0;
	s9 =	simm.s32 $0x0;
	v4 =	vld.idx.msk [tilespmem:v8+s4+$0x0], $0xffff;
	[tilespmem:s7+$0xFFFFFFA0] =	vst v9  }
.LBB2_55:
0x383: {  	v6 =	vld [tilespmem:s10+$0x0];
	s9 =	sadd.s32 $0x80, s9;
	[tilespmem:s7+$0xFFFFFFB0] =	vst v5  }
0x384: {  	v5 =	vld [tilespmem:s10+$0xFFFFFFA0];
	p1 =	slt.u32 s9, $0x180;
	[tilespmem:s7+$0xFFFFFFC0] =	vst v3  }
0x385: {  	v3 =	vld [tilespmem:s10+$0xFFFFFFB0];
	[tilespmem:s7+$0xFFFFFFD0] =	vst v2  }
0x386: {  	v2 =	vld [tilespmem:s10+$0xFFFFFFC0];
	[tilespmem:s7+$0xFFFFFFE0] =	vst v0  }
0x387: {  	v0 =	vld [tilespmem:s10+$0xFFFFFFD0];
	[tilespmem:s7+$0xFFFFFFF0] =	vst v1  }
0x388: {  	v1 =	vld [tilespmem:s10+$0xFFFFFFE0];
	[tilespmem:s7+$0xFFFFFF90] =	vst v4  }
0x389: {  	v4 =	vld [tilespmem:s10+$0xFFFFFFF0]  }
0x38a: {  	v7 =	vld [tilespmem:s10+$0xFFFFFF90]  }
0x38b: {  	v6 =	vld.idx.msk [tilespmem:v6+s4+$0x0], $0xffff  }
0x38c: {  	v8 =	vld.idx.msk [tilespmem:v5+s4+$0x0], $0xffff  }
0x38d: {  	v5 =	vld.idx.msk [tilespmem:v3+s4+$0x0], $0xffff  }
.Ltmp26:
0x38e: {  	v3 =	vld.idx.msk [tilespmem:v2+s4+$0x0], $0xffff;
	(pc) =	sbr.rel @p1 .LBB2_55-.Ltmp26, $4  }
0x38f: {  	v2 =	vld.idx.msk [tilespmem:v0+s4+$0x0], $0xffff  }
0x390: {  	s7 =	sadd.s32 $0x400, s7;
	v0 =	vld.idx.msk [tilespmem:v1+s4+$0x0], $0xffff  }
0x391: {  	v1 =	vld.idx.msk [tilespmem:v4+s4+$0x0], $0xffff;
	[tilespmem:s7+$0x0] =	vst v6  }
0x392: {  	s10 =	sadd.s32 $0x400, s10;
	v4 =	vld.idx.msk [tilespmem:v7+s4+$0x0], $0xffff;
	[tilespmem:s7+$0xFFFFFFA0] =	vst v8  }
0x393: {  	[tilespmem:s7+$0xFFFFFFB0] =	vst v5  }
0x394: {  	[tilespmem:s7+$0xFFFFFFC0] =	vst v3  }
0x395: {  	[tilespmem:s7+$0xFFFFFFD0] =	vst v2  }
0x396: {  	[tilespmem:s7+$0xFFFFFFE0] =	vst v0  }
0x397: {  	[tilespmem:s7+$0xFFFFFFF0] =	vst v1  }
0x398: {  	[tilespmem:s7+$0xFFFFFF90] =	vst v4  }
0x399: {  	s7 =	rddreg [dreg:$0x13]  }
0x39a: {  	s9 =	sadd.s32 s20, s7;
	s7 =	simm.s32 $0x80  }
0x39b: {  	[hbm4b:s9+s7] =	stream.strided.scatter [tilespmem:s6], [sflag:$0x4], $0x100, s31, s7, $0x38;
	[tilespmem:$0x1C700] =	vst v63  }
0x39c: {  	s10 =	sadd.s32 $0x80, s9  }
0x39d: {  	[hbm4b:s10+s7] =	stream.strided.scatter [tilespmem:s8], [sflag:$0x4], $0x100, s31, s7, $0x38;
	[tilespmem:$0x1C700] =	vst v63  }
0x39e: {  	s28 =	sadd.s32 $0x100, s9  }
0x39f: {  	[hbm4b:s28+s7] =	stream.strided.scatter [tilespmem:s15], [sflag:$0x4], $0x100, s31, s7, $0x38;
	[tilespmem:$0x1C700] =	vst v63  }
0x3a0: {  	s9 =	sadd.s32 $0x180, s9  }
0x3a1: {  	[hbm4b:s9+s7] =	stream.strided.scatter [tilespmem:s18], [sflag:$0x4], $0x100, s31, s7, $0x38;
	[tilespmem:$0x1C700] =	vst v63  }
0x3a2: {  	_ =	swait.ge [sflag:s19], $0x400  }
.Ltmp27:
0x3a3: {  	[sflag:s19] =	ssyncset.done $0x0;
	(pc) =	sbr.rel @p0 .LBB2_2-.Ltmp27, $4  }
0x3a4: {  	[sflag:s19] =	ssyncadd.s32 $0xFFFFFC00  }
0x3a5: {  	_ =	swait.ge [sflag:s21], $0x400  }
0x3a6: {  	[sflag:s21] =	ssyncset.done $0x0  }
0x3a7: {  	p1 =	por $0x0, $0x0;
	[sflag:s21] =	ssyncadd.s32 $0xFFFFFC00  }
0x3a8: {  	s9 =	rddreg [dreg:$0x16]  }
0x3a9: {  	s7 =	rddreg [dreg:$0x14];
	s9 =	sadd.s32 $0x1, s9  }
0x3aa: {  	p0 =	sne.s32 s9, s7  }
.Ltmp28:
0x3ab: {  	_ = 	snop;
	(pc) =	sbr.rel @p0 .LBB2_1-.Ltmp28, $1  }
0x3ac: {  	_ =	sdelay $0x3  }
0x3ad: {  	_ =	sfence.sel $0x180000  }
0x3ae: {  	[bflag:$0x0] =	sbarrier.arrive $0xFFFF  }
0x3af: {  	_ =	strace $0x90000047  }
0x3b0: {  	s0 =	stileid.u32;
	[bflag:$0x2] =	sbarrier.arrive $0xFFFF  }
0x3b1: {  	p0 =	sne.s32 s0, $0x0;
	s0 =	rddreg [dreg:$0x3]  }
0x3b2: {  	s0 =	sadd.s32 @!p0 $0x100000, s0  }
0x3b3: {  	[sflag:s0] =	ssyncadd.tile.s32 @!p0 $0x1;
	_ =	shalt  }
.Lfunc_end2:
_tile_overlayer_lowered:
.L_overlay_start_2:
0x3b4: {  	(tag) =	ssettag $0x2  }
0x3b5: {  	s0 =	rddreg [dreg:$0x0];
	s2 =	stileid.u32  }
0x3b6: {  	s1 =	rddreg [dreg:$0x1];
	p0 =	sne.s32 s2, $0x0  }
0x3b7: {  	s3 =	rddreg [dreg:$0x2];
	[bflag:$0x3] =	sbarrier.arrive $0xFFFF;
	s2 =	simm.s32 @!p0 $0x1C05  }
0x3b8: {  	[timem:s3], [sflag:s2] =	dma.local @!p0 [hbm:s0], s1  }
0x3b9: {  	s0 =	simm.s32 @!p0 $0x5  }
0x3ba: {  	_ =	swait.ge @!p0 [sflag:s0], s1  }
0x3bb: {  	s1 =	ssub.s32 @!p0 $0x0, s1;
	[sflag:s0] =	ssyncset.done @!p0 $0x0  }
0x3bc: {  	[sflag:s0] =	ssyncadd.s32 @!p0 s1  }
0x3bd: {  	[bflag:$0x3] =	sbarrier.arrive $0xFFFF  }
0x3be: {  	_ =	shalt  }

</sc_bundles>
